<compile_context>
chip_gen: v7x
topology: tpu7x:2x2x1
jax: 0.10.2.dev20260603
libtpu: 0.0.44.dev20260713+nightly
codegen_flags: <defaults>
</compile_context>

<pallas_src>
import functools

import jax
import jax.numpy as jnp
from jax import lax
from jax.experimental import pallas as pl
from jax.experimental.pallas import tpu as pltpu
from jax.experimental.pallas import tpu_sc as plsc

LQ = 2048
LK = 2048
D = 32
MAX_REL = 128

_info = plsc.get_sparse_core_info()
NC = _info.num_cores
NS = _info.num_subcores
NW = NC * NS
QPW = LQ // NW

ND8 = D // 8
NK128 = LK // 128
EW = 768
JMAX = EW - 128


@functools.partial(
    pl.kernel,
    mesh=plsc.VectorSubcoreMesh(core_axis_name="c", subcore_axis_name="s"),
    compiler_params=pltpu.CompilerParams(use_tc_tiling_on_sc=False),
    out_type=jax.ShapeDtypeStruct((LQ, ND8, NK128, 8, 128), jnp.float32),
    scratch_types=[
        pltpu.VMEM((ND8, 1, 8, EW), jnp.float32),
        pltpu.SemaphoreType.DMA,
    ],
)
def _rel_pos_sc(te8_hbm, out_hbm, te_v, sem):
    wid = lax.axis_index("s") * NC + lax.axis_index("c")
    c = wid % 8
    b = wid // 8
    p = (383 - c) % 8

    pltpu.sync_copy(te8_hbm.at[p], te_v)

    def row_step(i, carry):
        q = c + 8 * (QPW * b + i)
        for k in range(NK128):
            j0 = jnp.clip(128 * k - q + 383 - p, 0, JMAX)
            j0 = pl.multiple_of(j0, 8)
            pltpu.async_copy(
                te_v.at[:, :, :, pl.ds(j0, 128)],
                out_hbm.at[q, pl.ds(0, ND8), pl.ds(k, 1)],
                sem,
            )

        @pl.when(i > 0)
        def _():
            def drain(_, cc):
                pltpu.make_async_copy(
                    te_v.at[:, :, :, pl.ds(0, 128)],
                    out_hbm.at[q, pl.ds(0, ND8), pl.ds(0, 1)],
                    sem,
                ).wait()
                return cc

            lax.fori_loop(0, NK128, drain, 0)

        return carry

    lax.fori_loop(0, QPW, row_step, 0)

    def drain_last(_, cc):
        pltpu.make_async_copy(
            te_v.at[:, :, :, pl.ds(0, 128)],
            out_hbm.at[c, pl.ds(0, ND8), pl.ds(0, 1)],
            sem,
        ).wait()
        return cc

    lax.fori_loop(0, NK128, drain_last, 0)


def kernel(length_q, length_k, embeddings_table):
    del length_q, length_k
    j = jnp.arange(EW, dtype=jnp.int32)[None, :] + jnp.arange(8, dtype=jnp.int32)[:, None]
    rows = jnp.clip(j - 383, -MAX_REL, MAX_REL) + MAX_REL
    te8 = jnp.transpose(embeddings_table[rows, :], (0, 2, 1))
    te8 = te8.reshape(8, ND8, 1, 8, EW)
    y5 = _rel_pos_sc(te8)
    return y5.transpose(0, 2, 4, 1, 3).reshape(LQ, LK, D)

# --- scband reference (transcript-rebuilt; emitter-appended) ---
"""Pipeline reference for scband-relative-position-70686571757922 (READ-ONLY COPY).

The authoritative reference and input builder live on the scoring server;
editing this copy changes nothing except your own understanding.
"""

import jax, jax.numpy as jnp
import numpy as np

NUM_UNITS = 32
MAX_REL = 128

def setup_inputs(seed: int = 0) -> dict:
    key = jax.random.key(seed)
    rows = MAX_REL * 2 + 1
    # xavier uniform init, matching nn.init.xavier_uniform_
    bound = float(np.sqrt(6.0 / (rows + NUM_UNITS)))
    table = jax.random.uniform(key, (rows, NUM_UNITS), dtype=jnp.float32, minval=-bound, maxval=bound)
    return {"length_q": 2048, "length_k": 2048, "embeddings_table": table}

def reference(length_q, length_k, embeddings_table):
    LENGTH_Q = 2048
    LENGTH_K = 2048
    range_vec_q = jnp.arange(LENGTH_Q) + length_q * 0
    range_vec_k = jnp.arange(LENGTH_K) + length_k * 0
    distance_mat = range_vec_k[None, :] - range_vec_q[:, None]
    distance_mat_clipped = jnp.clip(distance_mat, -MAX_REL, MAX_REL)
    final_mat = distance_mat_clipped + MAX_REL
    embeddings = jnp.take(embeddings_table, final_mat, axis=0)
    return embeddings

if __name__ == "__main__":
    import jax
    _d = setup_inputs()
    print(jax.jit(kernel)(*tuple(_d.values())))

</pallas_src>

<mosaic_0001>
#map = affine_map<(d0, d1) -> (0, 0, 0, 0, 0)>
module attributes {stable_mosaic.version = 14 : i64} {
  func.func @_rel_pos_sc(%arg0: i32, %arg1: i32, %arg2: memref<8x4x1x8x768xf32, #tpu.memory_space<hbm>>, %arg3: memref<2048x4x16x8x128xf32, #tpu.memory_space<hbm>>, %arg4: memref<4x1x8x768xf32, #tpu.memory_space<vmem>>, %arg5: memref<!tpu.dma_semaphore, #tpu.memory_space<semaphore_mem>>) attributes {dimension_semantics = [#tpu.dimension_semantics<core_parallel>, #tpu.dimension_semantics<subcore_parallel>], iteration_bounds = array<i64: 2, 16>, scalar_prefetch = 0 : i64, scratch_operands = 2 : i64, tpu.core_type = #tpu.core_type<sc_vector_subcore>, window_params = [{transform_indices = #map}, {transform_indices = #map}]} {
    %mul3A = arith.constant 2 : i32
    %mul3A_0 = arith.muli %arg1, %mul3A : i32
    %add3A = arith.addi %mul3A_0, %arg0 : i32
    %jit3A = arith.constant 8 : i32
    %eq3A = arith.constant 0 : i32
    %eq3A_1 = arith.cmpi eq, %jit3A, %eq3A : i32
    %jit3A_2 = arith.constant 1 : i32
    %select_n3A = arith.select %eq3A_1, %jit3A_2, %jit3A : i32
    %rem3A = arith.remsi %add3A, %select_n3A : i32
    %ne3A = arith.constant 0 : i32
    %ne3A_3 = arith.cmpi ne, %rem3A, %ne3A : i32
    %lt3A = arith.constant 0 : i32
    %lt3A_4 = arith.cmpi slt, %rem3A, %lt3A : i32
    %lt3A_5 = arith.constant 0 : i32
    %lt3A_6 = arith.cmpi slt, %select_n3A, %lt3A_5 : i32
    %ne3A_7 = arith.xori %lt3A_4, %lt3A_6 : i1
    %and3A = arith.andi %ne3A_7, %ne3A_3 : i1
    %add3A_8 = arith.addi %rem3A, %select_n3A : i32
    %select_n3A_9 = arith.select %and3A, %add3A_8, %rem3A : i32
    %jit3A_10 = arith.constant 8 : i32
    %div3A = arith.divsi %add3A, %jit3A_10 : i32
    %sign3A = arith.constant 0 : i32
    %sign3A_11 = arith.cmpi sgt, %add3A, %sign3A : i32
    %sign3A_12 = arith.extui %sign3A_11 : i1 to i32
    %sign3A_13 = arith.constant 0 : i32
    %sign3A_14 = arith.cmpi slt, %add3A, %sign3A_13 : i32
    %sign3A_15 = arith.extui %sign3A_14 : i1 to i32
    %sign3A_16 = arith.subi %sign3A_12, %sign3A_15 : i32
    %sign3A_17 = arith.constant 0 : i32
    %sign3A_18 = arith.cmpi sgt, %jit3A_10, %sign3A_17 : i32
    %sign3A_19 = arith.extui %sign3A_18 : i1 to i32
    %sign3A_20 = arith.constant 0 : i32
    %sign3A_21 = arith.cmpi slt, %jit3A_10, %sign3A_20 : i32
    %sign3A_22 = arith.extui %sign3A_21 : i1 to i32
    %sign3A_23 = arith.subi %sign3A_19, %sign3A_22 : i32
    %ne3A_24 = arith.cmpi ne, %sign3A_16, %sign3A_23 : i32
    %rem3A_25 = arith.remsi %add3A, %jit3A_10 : i32
    %ne3A_26 = arith.constant 0 : i32
    %ne3A_27 = arith.cmpi ne, %rem3A_25, %ne3A_26 : i32
    %and3A_28 = arith.andi %ne3A_24, %ne3A_27 : i1
    %sub3A = arith.constant 1 : i32
    %sub3A_29 = arith.subi %div3A, %sub3A : i32
    %select_n3A_30 = arith.select %and3A_28, %sub3A_29, %div3A : i32
    %sub3A_31 = arith.constant 383 : i32
    %sub3A_32 = arith.subi %sub3A_31, %select_n3A_9 : i32
    %jit3A_33 = arith.constant 8 : i32
    %eq3A_34 = arith.constant 0 : i32
    %eq3A_35 = arith.cmpi eq, %jit3A_33, %eq3A_34 : i32
    %jit3A_36 = arith.constant 1 : i32
    %select_n3A_37 = arith.select %eq3A_35, %jit3A_36, %jit3A_33 : i32
    %rem3A_38 = arith.remsi %sub3A_32, %select_n3A_37 : i32
    %ne3A_39 = arith.constant 0 : i32
    %ne3A_40 = arith.cmpi ne, %rem3A_38, %ne3A_39 : i32
    %lt3A_41 = arith.constant 0 : i32
    %lt3A_42 = arith.cmpi slt, %rem3A_38, %lt3A_41 : i32
    %lt3A_43 = arith.constant 0 : i32
    %lt3A_44 = arith.cmpi slt, %select_n3A_37, %lt3A_43 : i32
    %ne3A_45 = arith.xori %lt3A_42, %lt3A_44 : i1
    %and3A_46 = arith.andi %ne3A_45, %ne3A_40 : i1
    %add3A_47 = arith.addi %rem3A_38, %select_n3A_37 : i32
    %select_n3A_48 = arith.select %and3A_46, %add3A_47, %rem3A_38 : i32
    "tpu.region"() ({
      %run_scoped3A = tpu.sem_alloc : memref<!tpu.dma_semaphore, #tpu.memory_space<semaphore_mem>>
      %dma_start3A = arith.constant 0 : i32
      %dma_start3A_60 = arith.constant 0 : i32
      %dma_start3A_61 = arith.constant 0 : i32
      %dma_start3A_62 = arith.constant 0 : i32
      %dma_start3A_63 = tpu.memref_slice %arg2[%select_n3A_48, %dma_start3A, %dma_start3A_60, %dma_start3A_61, %dma_start3A_62] : memref<8x4x1x8x768xf32, #tpu.memory_space<hbm>> -> memref<1x4x1x8x768xf32, #tpu.memory_space<hbm>>
      %dma_start3A_64 = tpu.memref_squeeze %dma_start3A_63 : memref<1x4x1x8x768xf32, #tpu.memory_space<hbm>> -> memref<4x1x8x768xf32, #tpu.memory_space<hbm>>
      %dma_start3A_65 = arith.constant 0 : i32
      %dma_start3A_66 = arith.constant 0 : i32
      %dma_start3A_67 = arith.constant 0 : i32
      %dma_start3A_68 = arith.constant 0 : i32
      %dma_start3A_69 = tpu.memref_slice %arg2[%select_n3A_48, %dma_start3A_65, %dma_start3A_66, %dma_start3A_67, %dma_start3A_68] : memref<8x4x1x8x768xf32, #tpu.memory_space<hbm>> -> memref<1x4x1x8x768xf32, #tpu.memory_space<hbm>>
      %dma_start3A_70 = tpu.memref_squeeze %dma_start3A_69 : memref<1x4x1x8x768xf32, #tpu.memory_space<hbm>> -> memref<4x1x8x768xf32, #tpu.memory_space<hbm>>
      tpu.enqueue_dma source(%dma_start3A_70 : memref<4x1x8x768xf32, #tpu.memory_space<hbm>>) target(%arg4 : memref<4x1x8x768xf32, #tpu.memory_space<vmem>>) target_semaphore(%run_scoped3A : memref<!tpu.dma_semaphore, #tpu.memory_space<semaphore_mem>>)
      %dma_wait3A = arith.constant 0 : i32
      %dma_wait3A_71 = arith.constant 0 : i32
      %dma_wait3A_72 = arith.constant 0 : i32
      %dma_wait3A_73 = arith.constant 0 : i32
      %dma_wait3A_74 = tpu.memref_slice %arg2[%select_n3A_48, %dma_wait3A, %dma_wait3A_71, %dma_wait3A_72, %dma_wait3A_73] : memref<8x4x1x8x768xf32, #tpu.memory_space<hbm>> -> memref<1x4x1x8x768xf32, #tpu.memory_space<hbm>>
      %dma_wait3A_75 = tpu.memref_squeeze %dma_wait3A_74 : memref<1x4x1x8x768xf32, #tpu.memory_space<hbm>> -> memref<4x1x8x768xf32, #tpu.memory_space<hbm>>
      %dma_wait3A_76 = arith.constant 0 : i32
      %dma_wait3A_77 = arith.constant 0 : i32
      %dma_wait3A_78 = arith.constant 0 : i32
      %dma_wait3A_79 = arith.constant 0 : i32
      %dma_wait3A_80 = tpu.memref_slice %arg2[%select_n3A_48, %dma_wait3A_76, %dma_wait3A_77, %dma_wait3A_78, %dma_wait3A_79] : memref<8x4x1x8x768xf32, #tpu.memory_space<hbm>> -> memref<1x4x1x8x768xf32, #tpu.memory_space<hbm>>
      %dma_wait3A_81 = tpu.memref_squeeze %dma_wait3A_80 : memref<1x4x1x8x768xf32, #tpu.memory_space<hbm>> -> memref<4x1x8x768xf32, #tpu.memory_space<hbm>>
      tpu.wait_dma2 semaphore(%run_scoped3A : memref<!tpu.dma_semaphore, #tpu.memory_space<semaphore_mem>>) src(%dma_wait3A_81 : memref<4x1x8x768xf32, #tpu.memory_space<hbm>>) dst(%arg4 : memref<4x1x8x768xf32, #tpu.memory_space<vmem>>)
      tpu.yield
    }) : () -> ()
    %scan3A = arith.constant 0 : i32
    %scan3A_49 = arith.constant 0 : i32
    %scan3A_50 = arith.constant 64 : i32
    %scan3A_51 = arith.addi %scan3A_49, %scan3A_50 : i32
    %scan3A_52 = arith.constant 1 : i32
    scf.for %scan3A_60 = %scan3A_49 to %scan3A_51 step %scan3A_52  : i32 {
      %mul3A_61 = arith.constant 64 : i32
      %mul3A_62 = arith.muli %mul3A_61, %select_n3A_30 : i32
      %add3A_63 = arith.addi %mul3A_62, %scan3A_60 : i32
      %mul3A_64 = arith.constant 8 : i32
      %mul3A_65 = arith.muli %mul3A_64, %add3A_63 : i32
      %add3A_66 = arith.addi %select_n3A_9, %mul3A_65 : i32
      %sub3A_67 = arith.constant 0 : i32
      %sub3A_68 = arith.subi %sub3A_67, %add3A_66 : i32
      %add3A_69 = arith.constant 383 : i32
      %add3A_70 = arith.addi %sub3A_68, %add3A_69 : i32
      %sub3A_71 = arith.subi %add3A_70, %select_n3A_48 : i32
      %jit3A_72 = arith.constant 0 : i32
      %jit3A_73 = arith.constant 640 : i32
      %max3A = arith.maxsi %jit3A_72, %sub3A_71 : i32
      %min3A = arith.minsi %jit3A_73, %max3A : i32
      %multiple_of3A = tpu.assume_multiple %min3A, 8 : i32
      %dma_start3A = arith.constant 0 : i32
      %dma_start3A_74 = arith.constant 0 : i32
      %dma_start3A_75 = arith.constant 0 : i32
      %dma_start3A_76 = tpu.memref_slice %arg4[%dma_start3A, %dma_start3A_74, %dma_start3A_75, %multiple_of3A] : memref<4x1x8x768xf32, #tpu.memory_space<vmem>> -> memref<4x1x8x128xf32, #tpu.memory_space<vmem>>
      %dma_start3A_77 = arith.constant 0 : i32
      %dma_start3A_78 = arith.constant 0 : i32
      %dma_start3A_79 = arith.constant 0 : i32
      %dma_start3A_80 = arith.constant 0 : i32
      %dma_start3A_81 = tpu.memref_slice %arg3[%add3A_66, %dma_start3A_77, %dma_start3A_78, %dma_start3A_79, %dma_start3A_80] : memref<2048x4x16x8x128xf32, #tpu.memory_space<hbm>> -> memref<1x4x1x8x128xf32, #tpu.memory_space<hbm>>
      %dma_start3A_82 = tpu.memref_squeeze %dma_start3A_81 : memref<1x4x1x8x128xf32, #tpu.memory_space<hbm>> -> memref<4x1x8x128xf32, #tpu.memory_space<hbm>>
      %dma_start3A_83 = arith.constant 0 : i32
      %dma_start3A_84 = arith.constant 0 : i32
      %dma_start3A_85 = arith.constant 0 : i32
      %dma_start3A_86 = arith.constant 0 : i32
      %dma_start3A_87 = tpu.memref_slice %arg3[%add3A_66, %dma_start3A_83, %dma_start3A_84, %dma_start3A_85, %dma_start3A_86] : memref<2048x4x16x8x128xf32, #tpu.memory_space<hbm>> -> memref<1x4x1x8x128xf32, #tpu.memory_space<hbm>>
      %dma_start3A_88 = tpu.memref_squeeze %dma_start3A_87 : memref<1x4x1x8x128xf32, #tpu.memory_space<hbm>> -> memref<4x1x8x128xf32, #tpu.memory_space<hbm>>
      %dma_start3A_89 = arith.constant 0 : i32
      %dma_start3A_90 = arith.constant 0 : i32
      %dma_start3A_91 = arith.constant 0 : i32
      %dma_start3A_92 = tpu.memref_slice %arg4[%dma_start3A_89, %dma_start3A_90, %dma_start3A_91, %multiple_of3A] : memref<4x1x8x768xf32, #tpu.memory_space<vmem>> -> memref<4x1x8x128xf32, #tpu.memory_space<vmem>>
      tpu.enqueue_dma source(%dma_start3A_92 : memref<4x1x8x128xf32, #tpu.memory_space<vmem>>) target(%dma_start3A_88 : memref<4x1x8x128xf32, #tpu.memory_space<hbm>>) target_semaphore(%arg5 : memref<!tpu.dma_semaphore, #tpu.memory_space<semaphore_mem>>)
      %sub3A_93 = arith.constant 128 : i32
      %sub3A_94 = arith.subi %sub3A_93, %add3A_66 : i32
      %add3A_95 = arith.constant 383 : i32
      %add3A_96 = arith.addi %sub3A_94, %add3A_95 : i32
      %sub3A_97 = arith.subi %add3A_96, %select_n3A_48 : i32
      %jit3A_98 = arith.constant 0 : i32
      %jit3A_99 = arith.constant 640 : i32
      %max3A_100 = arith.maxsi %jit3A_98, %sub3A_97 : i32
      %min3A_101 = arith.minsi %jit3A_99, %max3A_100 : i32
      %multiple_of3A_102 = tpu.assume_multiple %min3A_101, 8 : i32
      %dma_start3A_103 = arith.constant 0 : i32
      %dma_start3A_104 = arith.constant 0 : i32
      %dma_start3A_105 = arith.constant 0 : i32
      %dma_start3A_106 = tpu.memref_slice %arg4[%dma_start3A_103, %dma_start3A_104, %dma_start3A_105, %multiple_of3A_102] : memref<4x1x8x768xf32, #tpu.memory_space<vmem>> -> memref<4x1x8x128xf32, #tpu.memory_space<vmem>>
      %dma_start3A_107 = arith.constant 0 : i32
      %dma_start3A_108 = arith.constant 1 : i32
      %dma_start3A_109 = arith.constant 0 : i32
      %dma_start3A_110 = arith.constant 0 : i32
      %dma_start3A_111 = tpu.memref_slice %arg3[%add3A_66, %dma_start3A_107, %dma_start3A_108, %dma_start3A_109, %dma_start3A_110] : memref<2048x4x16x8x128xf32, #tpu.memory_space<hbm>> -> memref<1x4x1x8x128xf32, #tpu.memory_space<hbm>>
      %dma_start3A_112 = tpu.memref_squeeze %dma_start3A_111 : memref<1x4x1x8x128xf32, #tpu.memory_space<hbm>> -> memref<4x1x8x128xf32, #tpu.memory_space<hbm>>
      %dma_start3A_113 = arith.constant 0 : i32
      %dma_start3A_114 = arith.constant 1 : i32
      %dma_start3A_115 = arith.constant 0 : i32
      %dma_start3A_116 = arith.constant 0 : i32
      %dma_start3A_117 = tpu.memref_slice %arg3[%add3A_66, %dma_start3A_113, %dma_start3A_114, %dma_start3A_115, %dma_start3A_116] : memref<2048x4x16x8x128xf32, #tpu.memory_space<hbm>> -> memref<1x4x1x8x128xf32, #tpu.memory_space<hbm>>
      %dma_start3A_118 = tpu.memref_squeeze %dma_start3A_117 : memref<1x4x1x8x128xf32, #tpu.memory_space<hbm>> -> memref<4x1x8x128xf32, #tpu.memory_space<hbm>>
      %dma_start3A_119 = arith.constant 0 : i32
      %dma_start3A_120 = arith.constant 0 : i32
      %dma_start3A_121 = arith.constant 0 : i32
      %dma_start3A_122 = tpu.memref_slice %arg4[%dma_start3A_119, %dma_start3A_120, %dma_start3A_121, %multiple_of3A_102] : memref<4x1x8x768xf32, #tpu.memory_space<vmem>> -> memref<4x1x8x128xf32, #tpu.memory_space<vmem>>
      tpu.enqueue_dma source(%dma_start3A_122 : memref<4x1x8x128xf32, #tpu.memory_space<vmem>>) target(%dma_start3A_118 : memref<4x1x8x128xf32, #tpu.memory_space<hbm>>) target_semaphore(%arg5 : memref<!tpu.dma_semaphore, #tpu.memory_space<semaphore_mem>>)
      %sub3A_123 = arith.constant 256 : i32
      %sub3A_124 = arith.subi %sub3A_123, %add3A_66 : i32
      %add3A_125 = arith.constant 383 : i32
      %add3A_126 = arith.addi %sub3A_124, %add3A_125 : i32
      %sub3A_127 = arith.subi %add3A_126, %select_n3A_48 : i32
      %jit3A_128 = arith.constant 0 : i32
      %jit3A_129 = arith.constant 640 : i32
      %max3A_130 = arith.maxsi %jit3A_128, %sub3A_127 : i32
      %min3A_131 = arith.minsi %jit3A_129, %max3A_130 : i32
      %multiple_of3A_132 = tpu.assume_multiple %min3A_131, 8 : i32
      %dma_start3A_133 = arith.constant 0 : i32
      %dma_start3A_134 = arith.constant 0 : i32
      %dma_start3A_135 = arith.constant 0 : i32
      %dma_start3A_136 = tpu.memref_slice %arg4[%dma_start3A_133, %dma_start3A_134, %dma_start3A_135, %multiple_of3A_132] : memref<4x1x8x768xf32, #tpu.memory_space<vmem>> -> memref<4x1x8x128xf32, #tpu.memory_space<vmem>>
      %dma_start3A_137 = arith.constant 0 : i32
      %dma_start3A_138 = arith.constant 2 : i32
      %dma_start3A_139 = arith.constant 0 : i32
      %dma_start3A_140 = arith.constant 0 : i32
      %dma_start3A_141 = tpu.memref_slice %arg3[%add3A_66, %dma_start3A_137, %dma_start3A_138, %dma_start3A_139, %dma_start3A_140] : memref<2048x4x16x8x128xf32, #tpu.memory_space<hbm>> -> memref<1x4x1x8x128xf32, #tpu.memory_space<hbm>>
      %dma_start3A_142 = tpu.memref_squeeze %dma_start3A_141 : memref<1x4x1x8x128xf32, #tpu.memory_space<hbm>> -> memref<4x1x8x128xf32, #tpu.memory_space<hbm>>
      %dma_start3A_143 = arith.constant 0 : i32
      %dma_start3A_144 = arith.constant 2 : i32
      %dma_start3A_145 = arith.constant 0 : i32
      %dma_start3A_146 = arith.constant 0 : i32
      %dma_start3A_147 = tpu.memref_slice %arg3[%add3A_66, %dma_start3A_143, %dma_start3A_144, %dma_start3A_145, %dma_start3A_146] : memref<2048x4x16x8x128xf32, #tpu.memory_space<hbm>> -> memref<1x4x1x8x128xf32, #tpu.memory_space<hbm>>
      %dma_start3A_148 = tpu.memref_squeeze %dma_start3A_147 : memref<1x4x1x8x128xf32, #tpu.memory_space<hbm>> -> memref<4x1x8x128xf32, #tpu.memory_space<hbm>>
      %dma_start3A_149 = arith.constant 0 : i32
      %dma_start3A_150 = arith.constant 0 : i32
      %dma_start3A_151 = arith.constant 0 : i32
      %dma_start3A_152 = tpu.memref_slice %arg4[%dma_start3A_149, %dma_start3A_150, %dma_start3A_151, %multiple_of3A_132] : memref<4x1x8x768xf32, #tpu.memory_space<vmem>> -> memref<4x1x8x128xf32, #tpu.memory_space<vmem>>
      tpu.enqueue_dma source(%dma_start3A_152 : memref<4x1x8x128xf32, #tpu.memory_space<vmem>>) target(%dma_start3A_148 : memref<4x1x8x128xf32, #tpu.memory_space<hbm>>) target_semaphore(%arg5 : memref<!tpu.dma_semaphore, #tpu.memory_space<semaphore_mem>>)
      %sub3A_153 = arith.constant 384 : i32
      %sub3A_154 = arith.subi %sub3A_153, %add3A_66 : i32
      %add3A_155 = arith.constant 383 : i32
      %add3A_156 = arith.addi %sub3A_154, %add3A_155 : i32
      %sub3A_157 = arith.subi %add3A_156, %select_n3A_48 : i32
      %jit3A_158 = arith.constant 0 : i32
      %jit3A_159 = arith.constant 640 : i32
      %max3A_160 = arith.maxsi %jit3A_158, %sub3A_157 : i32
      %min3A_161 = arith.minsi %jit3A_159, %max3A_160 : i32
      %multiple_of3A_162 = tpu.assume_multiple %min3A_161, 8 : i32
      %dma_start3A_163 = arith.constant 0 : i32
      %dma_start3A_164 = arith.constant 0 : i32
      %dma_start3A_165 = arith.constant 0 : i32
      %dma_start3A_166 = tpu.memref_slice %arg4[%dma_start3A_163, %dma_start3A_164, %dma_start3A_165, %multiple_of3A_162] : memref<4x1x8x768xf32, #tpu.memory_space<vmem>> -> memref<4x1x8x128xf32, #tpu.memory_space<vmem>>
      %dma_start3A_167 = arith.constant 0 : i32
      %dma_start3A_168 = arith.constant 3 : i32
      %dma_start3A_169 = arith.constant 0 : i32
      %dma_start3A_170 = arith.constant 0 : i32
      %dma_start3A_171 = tpu.memref_slice %arg3[%add3A_66, %dma_start3A_167, %dma_start3A_168, %dma_start3A_169, %dma_start3A_170] : memref<2048x4x16x8x128xf32, #tpu.memory_space<hbm>> -> memref<1x4x1x8x128xf32, #tpu.memory_space<hbm>>
      %dma_start3A_172 = tpu.memref_squeeze %dma_start3A_171 : memref<1x4x1x8x128xf32, #tpu.memory_space<hbm>> -> memref<4x1x8x128xf32, #tpu.memory_space<hbm>>
      %dma_start3A_173 = arith.constant 0 : i32
      %dma_start3A_174 = arith.constant 3 : i32
      %dma_start3A_175 = arith.constant 0 : i32
      %dma_start3A_176 = arith.constant 0 : i32
      %dma_start3A_177 = tpu.memref_slice %arg3[%add3A_66, %dma_start3A_173, %dma_start3A_174, %dma_start3A_175, %dma_start3A_176] : memref<2048x4x16x8x128xf32, #tpu.memory_space<hbm>> -> memref<1x4x1x8x128xf32, #tpu.memory_space<hbm>>
      %dma_start3A_178 = tpu.memref_squeeze %dma_start3A_177 : memref<1x4x1x8x128xf32, #tpu.memory_space<hbm>> -> memref<4x1x8x128xf32, #tpu.memory_space<hbm>>
      %dma_start3A_179 = arith.constant 0 : i32
      %dma_start3A_180 = arith.constant 0 : i32
      %dma_start3A_181 = arith.constant 0 : i32
      %dma_start3A_182 = tpu.memref_slice %arg4[%dma_start3A_179, %dma_start3A_180, %dma_start3A_181, %multiple_of3A_162] : memref<4x1x8x768xf32, #tpu.memory_space<vmem>> -> memref<4x1x8x128xf32, #tpu.memory_space<vmem>>
      tpu.enqueue_dma source(%dma_start3A_182 : memref<4x1x8x128xf32, #tpu.memory_space<vmem>>) target(%dma_start3A_178 : memref<4x1x8x128xf32, #tpu.memory_space<hbm>>) target_semaphore(%arg5 : memref<!tpu.dma_semaphore, #tpu.memory_space<semaphore_mem>>)
      %sub3A_183 = arith.constant 512 : i32
      %sub3A_184 = arith.subi %sub3A_183, %add3A_66 : i32
      %add3A_185 = arith.constant 383 : i32
      %add3A_186 = arith.addi %sub3A_184, %add3A_185 : i32
      %sub3A_187 = arith.subi %add3A_186, %select_n3A_48 : i32
      %jit3A_188 = arith.constant 0 : i32
      %jit3A_189 = arith.constant 640 : i32
      %max3A_190 = arith.maxsi %jit3A_188, %sub3A_187 : i32
      %min3A_191 = arith.minsi %jit3A_189, %max3A_190 : i32
      %multiple_of3A_192 = tpu.assume_multiple %min3A_191, 8 : i32
      %dma_start3A_193 = arith.constant 0 : i32
      %dma_start3A_194 = arith.constant 0 : i32
      %dma_start3A_195 = arith.constant 0 : i32
      %dma_start3A_196 = tpu.memref_slice %arg4[%dma_start3A_193, %dma_start3A_194, %dma_start3A_195, %multiple_of3A_192] : memref<4x1x8x768xf32, #tpu.memory_space<vmem>> -> memref<4x1x8x128xf32, #tpu.memory_space<vmem>>
      %dma_start3A_197 = arith.constant 0 : i32
      %dma_start3A_198 = arith.constant 4 : i32
      %dma_start3A_199 = arith.constant 0 : i32
      %dma_start3A_200 = arith.constant 0 : i32
      %dma_start3A_201 = tpu.memref_slice %arg3[%add3A_66, %dma_start3A_197, %dma_start3A_198, %dma_start3A_199, %dma_start3A_200] : memref<2048x4x16x8x128xf32, #tpu.memory_space<hbm>> -> memref<1x4x1x8x128xf32, #tpu.memory_space<hbm>>
      %dma_start3A_202 = tpu.memref_squeeze %dma_start3A_201 : memref<1x4x1x8x128xf32, #tpu.memory_space<hbm>> -> memref<4x1x8x128xf32, #tpu.memory_space<hbm>>
      %dma_start3A_203 = arith.constant 0 : i32
      %dma_start3A_204 = arith.constant 4 : i32
      %dma_start3A_205 = arith.constant 0 : i32
      %dma_start3A_206 = arith.constant 0 : i32
      %dma_start3A_207 = tpu.memref_slice %arg3[%add3A_66, %dma_start3A_203, %dma_start3A_204, %dma_start3A_205, %dma_start3A_206] : memref<2048x4x16x8x128xf32, #tpu.memory_space<hbm>> -> memref<1x4x1x8x128xf32, #tpu.memory_space<hbm>>
      %dma_start3A_208 = tpu.memref_squeeze %dma_start3A_207 : memref<1x4x1x8x128xf32, #tpu.memory_space<hbm>> -> memref<4x1x8x128xf32, #tpu.memory_space<hbm>>
      %dma_start3A_209 = arith.constant 0 : i32
      %dma_start3A_210 = arith.constant 0 : i32
      %dma_start3A_211 = arith.constant 0 : i32
      %dma_start3A_212 = tpu.memref_slice %arg4[%dma_start3A_209, %dma_start3A_210, %dma_start3A_211, %multiple_of3A_192] : memref<4x1x8x768xf32, #tpu.memory_space<vmem>> -> memref<4x1x8x128xf32, #tpu.memory_space<vmem>>
      tpu.enqueue_dma source(%dma_start3A_212 : memref<4x1x8x128xf32, #tpu.memory_space<vmem>>) target(%dma_start3A_208 : memref<4x1x8x128xf32, #tpu.memory_space<hbm>>) target_semaphore(%arg5 : memref<!tpu.dma_semaphore, #tpu.memory_space<semaphore_mem>>)
      %sub3A_213 = arith.constant 640 : i32
      %sub3A_214 = arith.subi %sub3A_213, %add3A_66 : i32
      %add3A_215 = arith.constant 383 : i32
      %add3A_216 = arith.addi %sub3A_214, %add3A_215 : i32
      %sub3A_217 = arith.subi %add3A_216, %select_n3A_48 : i32
      %jit3A_218 = arith.constant 0 : i32
      %jit3A_219 = arith.constant 640 : i32
      %max3A_220 = arith.maxsi %jit3A_218, %sub3A_217 : i32
      %min3A_221 = arith.minsi %jit3A_219, %max3A_220 : i32
      %multiple_of3A_222 = tpu.assume_multiple %min3A_221, 8 : i32
      %dma_start3A_223 = arith.constant 0 : i32
      %dma_start3A_224 = arith.constant 0 : i32
      %dma_start3A_225 = arith.constant 0 : i32
      %dma_start3A_226 = tpu.memref_slice %arg4[%dma_start3A_223, %dma_start3A_224, %dma_start3A_225, %multiple_of3A_222] : memref<4x1x8x768xf32, #tpu.memory_space<vmem>> -> memref<4x1x8x128xf32, #tpu.memory_space<vmem>>
      %dma_start3A_227 = arith.constant 0 : i32
      %dma_start3A_228 = arith.constant 5 : i32
      %dma_start3A_229 = arith.constant 0 : i32
      %dma_start3A_230 = arith.constant 0 : i32
      %dma_start3A_231 = tpu.memref_slice %arg3[%add3A_66, %dma_start3A_227, %dma_start3A_228, %dma_start3A_229, %dma_start3A_230] : memref<2048x4x16x8x128xf32, #tpu.memory_space<hbm>> -> memref<1x4x1x8x128xf32, #tpu.memory_space<hbm>>
      %dma_start3A_232 = tpu.memref_squeeze %dma_start3A_231 : memref<1x4x1x8x128xf32, #tpu.memory_space<hbm>> -> memref<4x1x8x128xf32, #tpu.memory_space<hbm>>
      %dma_start3A_233 = arith.constant 0 : i32
      %dma_start3A_234 = arith.constant 5 : i32
      %dma_start3A_235 = arith.constant 0 : i32
      %dma_start3A_236 = arith.constant 0 : i32
      %dma_start3A_237 = tpu.memref_slice %arg3[%add3A_66, %dma_start3A_233, %dma_start3A_234, %dma_start3A_235, %dma_start3A_236] : memref<2048x4x16x8x128xf32, #tpu.memory_space<hbm>> -> memref<1x4x1x8x128xf32, #tpu.memory_space<hbm>>
      %dma_start3A_238 = tpu.memref_squeeze %dma_start3A_237 : memref<1x4x1x8x128xf32, #tpu.memory_space<hbm>> -> memref<4x1x8x128xf32, #tpu.memory_space<hbm>>
      %dma_start3A_239 = arith.constant 0 : i32
      %dma_start3A_240 = arith.constant 0 : i32
      %dma_start3A_241 = arith.constant 0 : i32
      %dma_start3A_242 = tpu.memref_slice %arg4[%dma_start3A_239, %dma_start3A_240, %dma_start3A_241, %multiple_of3A_222] : memref<4x1x8x768xf32, #tpu.memory_space<vmem>> -> memref<4x1x8x128xf32, #tpu.memory_space<vmem>>
      tpu.enqueue_dma source(%dma_start3A_242 : memref<4x1x8x128xf32, #tpu.memory_space<vmem>>) target(%dma_start3A_238 : memref<4x1x8x128xf32, #tpu.memory_space<hbm>>) target_semaphore(%arg5 : memref<!tpu.dma_semaphore, #tpu.memory_space<semaphore_mem>>)
      %sub3A_243 = arith.constant 768 : i32
      %sub3A_244 = arith.subi %sub3A_243, %add3A_66 : i32
      %add3A_245 = arith.constant 383 : i32
      %add3A_246 = arith.addi %sub3A_244, %add3A_245 : i32
      %sub3A_247 = arith.subi %add3A_246, %select_n3A_48 : i32
      %jit3A_248 = arith.constant 0 : i32
      %jit3A_249 = arith.constant 640 : i32
      %max3A_250 = arith.maxsi %jit3A_248, %sub3A_247 : i32
      %min3A_251 = arith.minsi %jit3A_249, %max3A_250 : i32
      %multiple_of3A_252 = tpu.assume_multiple %min3A_251, 8 : i32
      %dma_start3A_253 = arith.constant 0 : i32
      %dma_start3A_254 = arith.constant 0 : i32
      %dma_start3A_255 = arith.constant 0 : i32
      %dma_start3A_256 = tpu.memref_slice %arg4[%dma_start3A_253, %dma_start3A_254, %dma_start3A_255, %multiple_of3A_252] : memref<4x1x8x768xf32, #tpu.memory_space<vmem>> -> memref<4x1x8x128xf32, #tpu.memory_space<vmem>>
      %dma_start3A_257 = arith.constant 0 : i32
      %dma_start3A_258 = arith.constant 6 : i32
      %dma_start3A_259 = arith.constant 0 : i32
      %dma_start3A_260 = arith.constant 0 : i32
      %dma_start3A_261 = tpu.memref_slice %arg3[%add3A_66, %dma_start3A_257, %dma_start3A_258, %dma_start3A_259, %dma_start3A_260] : memref<2048x4x16x8x128xf32, #tpu.memory_space<hbm>> -> memref<1x4x1x8x128xf32, #tpu.memory_space<hbm>>
      %dma_start3A_262 = tpu.memref_squeeze %dma_start3A_261 : memref<1x4x1x8x128xf32, #tpu.memory_space<hbm>> -> memref<4x1x8x128xf32, #tpu.memory_space<hbm>>
      %dma_start3A_263 = arith.constant 0 : i32
      %dma_start3A_264 = arith.constant 6 : i32
      %dma_start3A_265 = arith.constant 0 : i32
      %dma_start3A_266 = arith.constant 0 : i32
      %dma_start3A_267 = tpu.memref_slice %arg3[%add3A_66, %dma_start3A_263, %dma_start3A_264, %dma_start3A_265, %dma_start3A_266] : memref<2048x4x16x8x128xf32, #tpu.memory_space<hbm>> -> memref<1x4x1x8x128xf32, #tpu.memory_space<hbm>>
      %dma_start3A_268 = tpu.memref_squeeze %dma_start3A_267 : memref<1x4x1x8x128xf32, #tpu.memory_space<hbm>> -> memref<4x1x8x128xf32, #tpu.memory_space<hbm>>
      %dma_start3A_269 = arith.constant 0 : i32
      %dma_start3A_270 = arith.constant 0 : i32
      %dma_start3A_271 = arith.constant 0 : i32
      %dma_start3A_272 = tpu.memref_slice %arg4[%dma_start3A_269, %dma_start3A_270, %dma_start3A_271, %multiple_of3A_252] : memref<4x1x8x768xf32, #tpu.memory_space<vmem>> -> memref<4x1x8x128xf32, #tpu.memory_space<vmem>>
      tpu.enqueue_dma source(%dma_start3A_272 : memref<4x1x8x128xf32, #tpu.memory_space<vmem>>) target(%dma_start3A_268 : memref<4x1x8x128xf32, #tpu.memory_space<hbm>>) target_semaphore(%arg5 : memref<!tpu.dma_semaphore, #tpu.memory_space<semaphore_mem>>)
      %sub3A_273 = arith.constant 896 : i32
      %sub3A_274 = arith.subi %sub3A_273, %add3A_66 : i32
      %add3A_275 = arith.constant 383 : i32
      %add3A_276 = arith.addi %sub3A_274, %add3A_275 : i32
      %sub3A_277 = arith.subi %add3A_276, %select_n3A_48 : i32
      %jit3A_278 = arith.constant 0 : i32
      %jit3A_279 = arith.constant 640 : i32
      %max3A_280 = arith.maxsi %jit3A_278, %sub3A_277 : i32
      %min3A_281 = arith.minsi %jit3A_279, %max3A_280 : i32
      %multiple_of3A_282 = tpu.assume_multiple %min3A_281, 8 : i32
      %dma_start3A_283 = arith.constant 0 : i32
      %dma_start3A_284 = arith.constant 0 : i32
      %dma_start3A_285 = arith.constant 0 : i32
      %dma_start3A_286 = tpu.memref_slice %arg4[%dma_start3A_283, %dma_start3A_284, %dma_start3A_285, %multiple_of3A_282] : memref<4x1x8x768xf32, #tpu.memory_space<vmem>> -> memref<4x1x8x128xf32, #tpu.memory_space<vmem>>
      %dma_start3A_287 = arith.constant 0 : i32
      %dma_start3A_288 = arith.constant 7 : i32
      %dma_start3A_289 = arith.constant 0 : i32
      %dma_start3A_290 = arith.constant 0 : i32
      %dma_start3A_291 = tpu.memref_slice %arg3[%add3A_66, %dma_start3A_287, %dma_start3A_288, %dma_start3A_289, %dma_start3A_290] : memref<2048x4x16x8x128xf32, #tpu.memory_space<hbm>> -> memref<1x4x1x8x128xf32, #tpu.memory_space<hbm>>
      %dma_start3A_292 = tpu.memref_squeeze %dma_start3A_291 : memref<1x4x1x8x128xf32, #tpu.memory_space<hbm>> -> memref<4x1x8x128xf32, #tpu.memory_space<hbm>>
      %dma_start3A_293 = arith.constant 0 : i32
      %dma_start3A_294 = arith.constant 7 : i32
      %dma_start3A_295 = arith.constant 0 : i32
      %dma_start3A_296 = arith.constant 0 : i32
      %dma_start3A_297 = tpu.memref_slice %arg3[%add3A_66, %dma_start3A_293, %dma_start3A_294, %dma_start3A_295, %dma_start3A_296] : memref<2048x4x16x8x128xf32, #tpu.memory_space<hbm>> -> memref<1x4x1x8x128xf32, #tpu.memory_space<hbm>>
      %dma_start3A_298 = tpu.memref_squeeze %dma_start3A_297 : memref<1x4x1x8x128xf32, #tpu.memory_space<hbm>> -> memref<4x1x8x128xf32, #tpu.memory_space<hbm>>
      %dma_start3A_299 = arith.constant 0 : i32
      %dma_start3A_300 = arith.constant 0 : i32
      %dma_start3A_301 = arith.constant 0 : i32
      %dma_start3A_302 = tpu.memref_slice %arg4[%dma_start3A_299, %dma_start3A_300, %dma_start3A_301, %multiple_of3A_282] : memref<4x1x8x768xf32, #tpu.memory_space<vmem>> -> memref<4x1x8x128xf32, #tpu.memory_space<vmem>>
      tpu.enqueue_dma source(%dma_start3A_302 : memref<4x1x8x128xf32, #tpu.memory_space<vmem>>) target(%dma_start3A_298 : memref<4x1x8x128xf32, #tpu.memory_space<hbm>>) target_semaphore(%arg5 : memref<!tpu.dma_semaphore, #tpu.memory_space<semaphore_mem>>)
      %sub3A_303 = arith.constant 1024 : i32
      %sub3A_304 = arith.subi %sub3A_303, %add3A_66 : i32
      %add3A_305 = arith.constant 383 : i32
      %add3A_306 = arith.addi %sub3A_304, %add3A_305 : i32
      %sub3A_307 = arith.subi %add3A_306, %select_n3A_48 : i32
      %jit3A_308 = arith.constant 0 : i32
      %jit3A_309 = arith.constant 640 : i32
      %max3A_310 = arith.maxsi %jit3A_308, %sub3A_307 : i32
      %min3A_311 = arith.minsi %jit3A_309, %max3A_310 : i32
      %multiple_of3A_312 = tpu.assume_multiple %min3A_311, 8 : i32
      %dma_start3A_313 = arith.constant 0 : i32
      %dma_start3A_314 = arith.constant 0 : i32
      %dma_start3A_315 = arith.constant 0 : i32
      %dma_start3A_316 = tpu.memref_slice %arg4[%dma_start3A_313, %dma_start3A_314, %dma_start3A_315, %multiple_of3A_312] : memref<4x1x8x768xf32, #tpu.memory_space<vmem>> -> memref<4x1x8x128xf32, #tpu.memory_space<vmem>>
      %dma_start3A_317 = arith.constant 0 : i32
      %dma_start3A_318 = arith.constant 8 : i32
      %dma_start3A_319 = arith.constant 0 : i32
      %dma_start3A_320 = arith.constant 0 : i32
      %dma_start3A_321 = tpu.memref_slice %arg3[%add3A_66, %dma_start3A_317, %dma_start3A_318, %dma_start3A_319, %dma_start3A_320] : memref<2048x4x16x8x128xf32, #tpu.memory_space<hbm>> -> memref<1x4x1x8x128xf32, #tpu.memory_space<hbm>>
      %dma_start3A_322 = tpu.memref_squeeze %dma_start3A_321 : memref<1x4x1x8x128xf32, #tpu.memory_space<hbm>> -> memref<4x1x8x128xf32, #tpu.memory_space<hbm>>
      %dma_start3A_323 = arith.constant 0 : i32
      %dma_start3A_324 = arith.constant 8 : i32
      %dma_start3A_325 = arith.constant 0 : i32
      %dma_start3A_326 = arith.constant 0 : i32
      %dma_start3A_327 = tpu.memref_slice %arg3[%add3A_66, %dma_start3A_323, %dma_start3A_324, %dma_start3A_325, %dma_start3A_326] : memref<2048x4x16x8x128xf32, #tpu.memory_space<hbm>> -> memref<1x4x1x8x128xf32, #tpu.memory_space<hbm>>
      %dma_start3A_328 = tpu.memref_squeeze %dma_start3A_327 : memref<1x4x1x8x128xf32, #tpu.memory_space<hbm>> -> memref<4x1x8x128xf32, #tpu.memory_space<hbm>>
      %dma_start3A_329 = arith.constant 0 : i32
      %dma_start3A_330 = arith.constant 0 : i32
      %dma_start3A_331 = arith.constant 0 : i32
      %dma_start3A_332 = tpu.memref_slice %arg4[%dma_start3A_329, %dma_start3A_330, %dma_start3A_331, %multiple_of3A_312] : memref<4x1x8x768xf32, #tpu.memory_space<vmem>> -> memref<4x1x8x128xf32, #tpu.memory_space<vmem>>
      tpu.enqueue_dma source(%dma_start3A_332 : memref<4x1x8x128xf32, #tpu.memory_space<vmem>>) target(%dma_start3A_328 : memref<4x1x8x128xf32, #tpu.memory_space<hbm>>) target_semaphore(%arg5 : memref<!tpu.dma_semaphore, #tpu.memory_space<semaphore_mem>>)
      %sub3A_333 = arith.constant 1152 : i32
      %sub3A_334 = arith.subi %sub3A_333, %add3A_66 : i32
      %add3A_335 = arith.constant 383 : i32
      %add3A_336 = arith.addi %sub3A_334, %add3A_335 : i32
      %sub3A_337 = arith.subi %add3A_336, %select_n3A_48 : i32
      %jit3A_338 = arith.constant 0 : i32
      %jit3A_339 = arith.constant 640 : i32
      %max3A_340 = arith.maxsi %jit3A_338, %sub3A_337 : i32
      %min3A_341 = arith.minsi %jit3A_339, %max3A_340 : i32
      %multiple_of3A_342 = tpu.assume_multiple %min3A_341, 8 : i32
      %dma_start3A_343 = arith.constant 0 : i32
      %dma_start3A_344 = arith.constant 0 : i32
      %dma_start3A_345 = arith.constant 0 : i32
      %dma_start3A_346 = tpu.memref_slice %arg4[%dma_start3A_343, %dma_start3A_344, %dma_start3A_345, %multiple_of3A_342] : memref<4x1x8x768xf32, #tpu.memory_space<vmem>> -> memref<4x1x8x128xf32, #tpu.memory_space<vmem>>
      %dma_start3A_347 = arith.constant 0 : i32
      %dma_start3A_348 = arith.constant 9 : i32
      %dma_start3A_349 = arith.constant 0 : i32
      %dma_start3A_350 = arith.constant 0 : i32
      %dma_start3A_351 = tpu.memref_slice %arg3[%add3A_66, %dma_start3A_347, %dma_start3A_348, %dma_start3A_349, %dma_start3A_350] : memref<2048x4x16x8x128xf32, #tpu.memory_space<hbm>> -> memref<1x4x1x8x128xf32, #tpu.memory_space<hbm>>
      %dma_start3A_352 = tpu.memref_squeeze %dma_start3A_351 : memref<1x4x1x8x128xf32, #tpu.memory_space<hbm>> -> memref<4x1x8x128xf32, #tpu.memory_space<hbm>>
      %dma_start3A_353 = arith.constant 0 : i32
      %dma_start3A_354 = arith.constant 9 : i32
      %dma_start3A_355 = arith.constant 0 : i32
      %dma_start3A_356 = arith.constant 0 : i32
      %dma_start3A_357 = tpu.memref_slice %arg3[%add3A_66, %dma_start3A_353, %dma_start3A_354, %dma_start3A_355, %dma_start3A_356] : memref<2048x4x16x8x128xf32, #tpu.memory_space<hbm>> -> memref<1x4x1x8x128xf32, #tpu.memory_space<hbm>>
      %dma_start3A_358 = tpu.memref_squeeze %dma_start3A_357 : memref<1x4x1x8x128xf32, #tpu.memory_space<hbm>> -> memref<4x1x8x128xf32, #tpu.memory_space<hbm>>
      %dma_start3A_359 = arith.constant 0 : i32
      %dma_start3A_360 = arith.constant 0 : i32
      %dma_start3A_361 = arith.constant 0 : i32
      %dma_start3A_362 = tpu.memref_slice %arg4[%dma_start3A_359, %dma_start3A_360, %dma_start3A_361, %multiple_of3A_342] : memref<4x1x8x768xf32, #tpu.memory_space<vmem>> -> memref<4x1x8x128xf32, #tpu.memory_space<vmem>>
      tpu.enqueue_dma source(%dma_start3A_362 : memref<4x1x8x128xf32, #tpu.memory_space<vmem>>) target(%dma_start3A_358 : memref<4x1x8x128xf32, #tpu.memory_space<hbm>>) target_semaphore(%arg5 : memref<!tpu.dma_semaphore, #tpu.memory_space<semaphore_mem>>)
      %sub3A_363 = arith.constant 1280 : i32
      %sub3A_364 = arith.subi %sub3A_363, %add3A_66 : i32
      %add3A_365 = arith.constant 383 : i32
      %add3A_366 = arith.addi %sub3A_364, %add3A_365 : i32
      %sub3A_367 = arith.subi %add3A_366, %select_n3A_48 : i32
      %jit3A_368 = arith.constant 0 : i32
      %jit3A_369 = arith.constant 640 : i32
      %max3A_370 = arith.maxsi %jit3A_368, %sub3A_367 : i32
      %min3A_371 = arith.minsi %jit3A_369, %max3A_370 : i32
      %multiple_of3A_372 = tpu.assume_multiple %min3A_371, 8 : i32
      %dma_start3A_373 = arith.constant 0 : i32
      %dma_start3A_374 = arith.constant 0 : i32
      %dma_start3A_375 = arith.constant 0 : i32
      %dma_start3A_376 = tpu.memref_slice %arg4[%dma_start3A_373, %dma_start3A_374, %dma_start3A_375, %multiple_of3A_372] : memref<4x1x8x768xf32, #tpu.memory_space<vmem>> -> memref<4x1x8x128xf32, #tpu.memory_space<vmem>>
      %dma_start3A_377 = arith.constant 0 : i32
      %dma_start3A_378 = arith.constant 10 : i32
      %dma_start3A_379 = arith.constant 0 : i32
      %dma_start3A_380 = arith.constant 0 : i32
      %dma_start3A_381 = tpu.memref_slice %arg3[%add3A_66, %dma_start3A_377, %dma_start3A_378, %dma_start3A_379, %dma_start3A_380] : memref<2048x4x16x8x128xf32, #tpu.memory_space<hbm>> -> memref<1x4x1x8x128xf32, #tpu.memory_space<hbm>>
      %dma_start3A_382 = tpu.memref_squeeze %dma_start3A_381 : memref<1x4x1x8x128xf32, #tpu.memory_space<hbm>> -> memref<4x1x8x128xf32, #tpu.memory_space<hbm>>
      %dma_start3A_383 = arith.constant 0 : i32
      %dma_start3A_384 = arith.constant 10 : i32
      %dma_start3A_385 = arith.constant 0 : i32
      %dma_start3A_386 = arith.constant 0 : i32
      %dma_start3A_387 = tpu.memref_slice %arg3[%add3A_66, %dma_start3A_383, %dma_start3A_384, %dma_start3A_385, %dma_start3A_386] : memref<2048x4x16x8x128xf32, #tpu.memory_space<hbm>> -> memref<1x4x1x8x128xf32, #tpu.memory_space<hbm>>
      %dma_start3A_388 = tpu.memref_squeeze %dma_start3A_387 : memref<1x4x1x8x128xf32, #tpu.memory_space<hbm>> -> memref<4x1x8x128xf32, #tpu.memory_space<hbm>>
      %dma_start3A_389 = arith.constant 0 : i32
      %dma_start3A_390 = arith.constant 0 : i32
      %dma_start3A_391 = arith.constant 0 : i32
      %dma_start3A_392 = tpu.memref_slice %arg4[%dma_start3A_389, %dma_start3A_390, %dma_start3A_391, %multiple_of3A_372] : memref<4x1x8x768xf32, #tpu.memory_space<vmem>> -> memref<4x1x8x128xf32, #tpu.memory_space<vmem>>
      tpu.enqueue_dma source(%dma_start3A_392 : memref<4x1x8x128xf32, #tpu.memory_space<vmem>>) target(%dma_start3A_388 : memref<4x1x8x128xf32, #tpu.memory_space<hbm>>) target_semaphore(%arg5 : memref<!tpu.dma_semaphore, #tpu.memory_space<semaphore_mem>>)
      %sub3A_393 = arith.constant 1408 : i32
      %sub3A_394 = arith.subi %sub3A_393, %add3A_66 : i32
      %add3A_395 = arith.constant 383 : i32
      %add3A_396 = arith.addi %sub3A_394, %add3A_395 : i32
      %sub3A_397 = arith.subi %add3A_396, %select_n3A_48 : i32
      %jit3A_398 = arith.constant 0 : i32
      %jit3A_399 = arith.constant 640 : i32
      %max3A_400 = arith.maxsi %jit3A_398, %sub3A_397 : i32
      %min3A_401 = arith.minsi %jit3A_399, %max3A_400 : i32
      %multiple_of3A_402 = tpu.assume_multiple %min3A_401, 8 : i32
      %dma_start3A_403 = arith.constant 0 : i32
      %dma_start3A_404 = arith.constant 0 : i32
      %dma_start3A_405 = arith.constant 0 : i32
      %dma_start3A_406 = tpu.memref_slice %arg4[%dma_start3A_403, %dma_start3A_404, %dma_start3A_405, %multiple_of3A_402] : memref<4x1x8x768xf32, #tpu.memory_space<vmem>> -> memref<4x1x8x128xf32, #tpu.memory_space<vmem>>
      %dma_start3A_407 = arith.constant 0 : i32
      %dma_start3A_408 = arith.constant 11 : i32
      %dma_start3A_409 = arith.constant 0 : i32
      %dma_start3A_410 = arith.constant 0 : i32
      %dma_start3A_411 = tpu.memref_slice %arg3[%add3A_66, %dma_start3A_407, %dma_start3A_408, %dma_start3A_409, %dma_start3A_410] : memref<2048x4x16x8x128xf32, #tpu.memory_space<hbm>> -> memref<1x4x1x8x128xf32, #tpu.memory_space<hbm>>
      %dma_start3A_412 = tpu.memref_squeeze %dma_start3A_411 : memref<1x4x1x8x128xf32, #tpu.memory_space<hbm>> -> memref<4x1x8x128xf32, #tpu.memory_space<hbm>>
      %dma_start3A_413 = arith.constant 0 : i32
      %dma_start3A_414 = arith.constant 11 : i32
      %dma_start3A_415 = arith.constant 0 : i32
      %dma_start3A_416 = arith.constant 0 : i32
      %dma_start3A_417 = tpu.memref_slice %arg3[%add3A_66, %dma_start3A_413, %dma_start3A_414, %dma_start3A_415, %dma_start3A_416] : memref<2048x4x16x8x128xf32, #tpu.memory_space<hbm>> -> memref<1x4x1x8x128xf32, #tpu.memory_space<hbm>>
      %dma_start3A_418 = tpu.memref_squeeze %dma_start3A_417 : memref<1x4x1x8x128xf32, #tpu.memory_space<hbm>> -> memref<4x1x8x128xf32, #tpu.memory_space<hbm>>
      %dma_start3A_419 = arith.constant 0 : i32
      %dma_start3A_420 = arith.constant 0 : i32
      %dma_start3A_421 = arith.constant 0 : i32
      %dma_start3A_422 = tpu.memref_slice %arg4[%dma_start3A_419, %dma_start3A_420, %dma_start3A_421, %multiple_of3A_402] : memref<4x1x8x768xf32, #tpu.memory_space<vmem>> -> memref<4x1x8x128xf32, #tpu.memory_space<vmem>>
      tpu.enqueue_dma source(%dma_start3A_422 : memref<4x1x8x128xf32, #tpu.memory_space<vmem>>) target(%dma_start3A_418 : memref<4x1x8x128xf32, #tpu.memory_space<hbm>>) target_semaphore(%arg5 : memref<!tpu.dma_semaphore, #tpu.memory_space<semaphore_mem>>)
      %sub3A_423 = arith.constant 1536 : i32
      %sub3A_424 = arith.subi %sub3A_423, %add3A_66 : i32
      %add3A_425 = arith.constant 383 : i32
      %add3A_426 = arith.addi %sub3A_424, %add3A_425 : i32
      %sub3A_427 = arith.subi %add3A_426, %select_n3A_48 : i32
      %jit3A_428 = arith.constant 0 : i32
      %jit3A_429 = arith.constant 640 : i32
      %max3A_430 = arith.maxsi %jit3A_428, %sub3A_427 : i32
      %min3A_431 = arith.minsi %jit3A_429, %max3A_430 : i32
      %multiple_of3A_432 = tpu.assume_multiple %min3A_431, 8 : i32
      %dma_start3A_433 = arith.constant 0 : i32
      %dma_start3A_434 = arith.constant 0 : i32
      %dma_start3A_435 = arith.constant 0 : i32
      %dma_start3A_436 = tpu.memref_slice %arg4[%dma_start3A_433, %dma_start3A_434, %dma_start3A_435, %multiple_of3A_432] : memref<4x1x8x768xf32, #tpu.memory_space<vmem>> -> memref<4x1x8x128xf32, #tpu.memory_space<vmem>>
      %dma_start3A_437 = arith.constant 0 : i32
      %dma_start3A_438 = arith.constant 12 : i32
      %dma_start3A_439 = arith.constant 0 : i32
      %dma_start3A_440 = arith.constant 0 : i32
      %dma_start3A_441 = tpu.memref_slice %arg3[%add3A_66, %dma_start3A_437, %dma_start3A_438, %dma_start3A_439, %dma_start3A_440] : memref<2048x4x16x8x128xf32, #tpu.memory_space<hbm>> -> memref<1x4x1x8x128xf32, #tpu.memory_space<hbm>>
      %dma_start3A_442 = tpu.memref_squeeze %dma_start3A_441 : memref<1x4x1x8x128xf32, #tpu.memory_space<hbm>> -> memref<4x1x8x128xf32, #tpu.memory_space<hbm>>
      %dma_start3A_443 = arith.constant 0 : i32
      %dma_start3A_444 = arith.constant 12 : i32
      %dma_start3A_445 = arith.constant 0 : i32
      %dma_start3A_446 = arith.constant 0 : i32
      %dma_start3A_447 = tpu.memref_slice %arg3[%add3A_66, %dma_start3A_443, %dma_start3A_444, %dma_start3A_445, %dma_start3A_446] : memref<2048x4x16x8x128xf32, #tpu.memory_space<hbm>> -> memref<1x4x1x8x128xf32, #tpu.memory_space<hbm>>
      %dma_start3A_448 = tpu.memref_squeeze %dma_start3A_447 : memref<1x4x1x8x128xf32, #tpu.memory_space<hbm>> -> memref<4x1x8x128xf32, #tpu.memory_space<hbm>>
      %dma_start3A_449 = arith.constant 0 : i32
      %dma_start3A_450 = arith.constant 0 : i32
      %dma_start3A_451 = arith.constant 0 : i32
      %dma_start3A_452 = tpu.memref_slice %arg4[%dma_start3A_449, %dma_start3A_450, %dma_start3A_451, %multiple_of3A_432] : memref<4x1x8x768xf32, #tpu.memory_space<vmem>> -> memref<4x1x8x128xf32, #tpu.memory_space<vmem>>
      tpu.enqueue_dma source(%dma_start3A_452 : memref<4x1x8x128xf32, #tpu.memory_space<vmem>>) target(%dma_start3A_448 : memref<4x1x8x128xf32, #tpu.memory_space<hbm>>) target_semaphore(%arg5 : memref<!tpu.dma_semaphore, #tpu.memory_space<semaphore_mem>>)
      %sub3A_453 = arith.constant 1664 : i32
      %sub3A_454 = arith.subi %sub3A_453, %add3A_66 : i32
      %add3A_455 = arith.constant 383 : i32
      %add3A_456 = arith.addi %sub3A_454, %add3A_455 : i32
      %sub3A_457 = arith.subi %add3A_456, %select_n3A_48 : i32
      %jit3A_458 = arith.constant 0 : i32
      %jit3A_459 = arith.constant 640 : i32
      %max3A_460 = arith.maxsi %jit3A_458, %sub3A_457 : i32
      %min3A_461 = arith.minsi %jit3A_459, %max3A_460 : i32
      %multiple_of3A_462 = tpu.assume_multiple %min3A_461, 8 : i32
      %dma_start3A_463 = arith.constant 0 : i32
      %dma_start3A_464 = arith.constant 0 : i32
      %dma_start3A_465 = arith.constant 0 : i32
      %dma_start3A_466 = tpu.memref_slice %arg4[%dma_start3A_463, %dma_start3A_464, %dma_start3A_465, %multiple_of3A_462] : memref<4x1x8x768xf32, #tpu.memory_space<vmem>> -> memref<4x1x8x128xf32, #tpu.memory_space<vmem>>
      %dma_start3A_467 = arith.constant 0 : i32
      %dma_start3A_468 = arith.constant 13 : i32
      %dma_start3A_469 = arith.constant 0 : i32
      %dma_start3A_470 = arith.constant 0 : i32
      %dma_start3A_471 = tpu.memref_slice %arg3[%add3A_66, %dma_start3A_467, %dma_start3A_468, %dma_start3A_469, %dma_start3A_470] : memref<2048x4x16x8x128xf32, #tpu.memory_space<hbm>> -> memref<1x4x1x8x128xf32, #tpu.memory_space<hbm>>
      %dma_start3A_472 = tpu.memref_squeeze %dma_start3A_471 : memref<1x4x1x8x128xf32, #tpu.memory_space<hbm>> -> memref<4x1x8x128xf32, #tpu.memory_space<hbm>>
      %dma_start3A_473 = arith.constant 0 : i32
      %dma_start3A_474 = arith.constant 13 : i32
      %dma_start3A_475 = arith.constant 0 : i32
      %dma_start3A_476 = arith.constant 0 : i32
      %dma_start3A_477 = tpu.memref_slice %arg3[%add3A_66, %dma_start3A_473, %dma_start3A_474, %dma_start3A_475, %dma_start3A_476] : memref<2048x4x16x8x128xf32, #tpu.memory_space<hbm>> -> memref<1x4x1x8x128xf32, #tpu.memory_space<hbm>>
      %dma_start3A_478 = tpu.memref_squeeze %dma_start3A_477 : memref<1x4x1x8x128xf32, #tpu.memory_space<hbm>> -> memref<4x1x8x128xf32, #tpu.memory_space<hbm>>
      %dma_start3A_479 = arith.constant 0 : i32
      %dma_start3A_480 = arith.constant 0 : i32
      %dma_start3A_481 = arith.constant 0 : i32
      %dma_start3A_482 = tpu.memref_slice %arg4[%dma_start3A_479, %dma_start3A_480, %dma_start3A_481, %multiple_of3A_462] : memref<4x1x8x768xf32, #tpu.memory_space<vmem>> -> memref<4x1x8x128xf32, #tpu.memory_space<vmem>>
      tpu.enqueue_dma source(%dma_start3A_482 : memref<4x1x8x128xf32, #tpu.memory_space<vmem>>) target(%dma_start3A_478 : memref<4x1x8x128xf32, #tpu.memory_space<hbm>>) target_semaphore(%arg5 : memref<!tpu.dma_semaphore, #tpu.memory_space<semaphore_mem>>)
      %sub3A_483 = arith.constant 1792 : i32
      %sub3A_484 = arith.subi %sub3A_483, %add3A_66 : i32
      %add3A_485 = arith.constant 383 : i32
      %add3A_486 = arith.addi %sub3A_484, %add3A_485 : i32
      %sub3A_487 = arith.subi %add3A_486, %select_n3A_48 : i32
      %jit3A_488 = arith.constant 0 : i32
      %jit3A_489 = arith.constant 640 : i32
      %max3A_490 = arith.maxsi %jit3A_488, %sub3A_487 : i32
      %min3A_491 = arith.minsi %jit3A_489, %max3A_490 : i32
      %multiple_of3A_492 = tpu.assume_multiple %min3A_491, 8 : i32
      %dma_start3A_493 = arith.constant 0 : i32
      %dma_start3A_494 = arith.constant 0 : i32
      %dma_start3A_495 = arith.constant 0 : i32
      %dma_start3A_496 = tpu.memref_slice %arg4[%dma_start3A_493, %dma_start3A_494, %dma_start3A_495, %multiple_of3A_492] : memref<4x1x8x768xf32, #tpu.memory_space<vmem>> -> memref<4x1x8x128xf32, #tpu.memory_space<vmem>>
      %dma_start3A_497 = arith.constant 0 : i32
      %dma_start3A_498 = arith.constant 14 : i32
      %dma_start3A_499 = arith.constant 0 : i32
      %dma_start3A_500 = arith.constant 0 : i32
      %dma_start3A_501 = tpu.memref_slice %arg3[%add3A_66, %dma_start3A_497, %dma_start3A_498, %dma_start3A_499, %dma_start3A_500] : memref<2048x4x16x8x128xf32, #tpu.memory_space<hbm>> -> memref<1x4x1x8x128xf32, #tpu.memory_space<hbm>>
      %dma_start3A_502 = tpu.memref_squeeze %dma_start3A_501 : memref<1x4x1x8x128xf32, #tpu.memory_space<hbm>> -> memref<4x1x8x128xf32, #tpu.memory_space<hbm>>
      %dma_start3A_503 = arith.constant 0 : i32
      %dma_start3A_504 = arith.constant 14 : i32
      %dma_start3A_505 = arith.constant 0 : i32
      %dma_start3A_506 = arith.constant 0 : i32
      %dma_start3A_507 = tpu.memref_slice %arg3[%add3A_66, %dma_start3A_503, %dma_start3A_504, %dma_start3A_505, %dma_start3A_506] : memref<2048x4x16x8x128xf32, #tpu.memory_space<hbm>> -> memref<1x4x1x8x128xf32, #tpu.memory_space<hbm>>
      %dma_start3A_508 = tpu.memref_squeeze %dma_start3A_507 : memref<1x4x1x8x128xf32, #tpu.memory_space<hbm>> -> memref<4x1x8x128xf32, #tpu.memory_space<hbm>>
      %dma_start3A_509 = arith.constant 0 : i32
      %dma_start3A_510 = arith.constant 0 : i32
      %dma_start3A_511 = arith.constant 0 : i32
      %dma_start3A_512 = tpu.memref_slice %arg4[%dma_start3A_509, %dma_start3A_510, %dma_start3A_511, %multiple_of3A_492] : memref<4x1x8x768xf32, #tpu.memory_space<vmem>> -> memref<4x1x8x128xf32, #tpu.memory_space<vmem>>
      tpu.enqueue_dma source(%dma_start3A_512 : memref<4x1x8x128xf32, #tpu.memory_space<vmem>>) target(%dma_start3A_508 : memref<4x1x8x128xf32, #tpu.memory_space<hbm>>) target_semaphore(%arg5 : memref<!tpu.dma_semaphore, #tpu.memory_space<semaphore_mem>>)
      %sub3A_513 = arith.constant 1920 : i32
      %sub3A_514 = arith.subi %sub3A_513, %add3A_66 : i32
      %add3A_515 = arith.constant 383 : i32
      %add3A_516 = arith.addi %sub3A_514, %add3A_515 : i32
      %sub3A_517 = arith.subi %add3A_516, %select_n3A_48 : i32
      %jit3A_518 = arith.constant 0 : i32
      %jit3A_519 = arith.constant 640 : i32
      %max3A_520 = arith.maxsi %jit3A_518, %sub3A_517 : i32
      %min3A_521 = arith.minsi %jit3A_519, %max3A_520 : i32
      %multiple_of3A_522 = tpu.assume_multiple %min3A_521, 8 : i32
      %dma_start3A_523 = arith.constant 0 : i32
      %dma_start3A_524 = arith.constant 0 : i32
      %dma_start3A_525 = arith.constant 0 : i32
      %dma_start3A_526 = tpu.memref_slice %arg4[%dma_start3A_523, %dma_start3A_524, %dma_start3A_525, %multiple_of3A_522] : memref<4x1x8x768xf32, #tpu.memory_space<vmem>> -> memref<4x1x8x128xf32, #tpu.memory_space<vmem>>
      %dma_start3A_527 = arith.constant 0 : i32
      %dma_start3A_528 = arith.constant 15 : i32
      %dma_start3A_529 = arith.constant 0 : i32
      %dma_start3A_530 = arith.constant 0 : i32
      %dma_start3A_531 = tpu.memref_slice %arg3[%add3A_66, %dma_start3A_527, %dma_start3A_528, %dma_start3A_529, %dma_start3A_530] : memref<2048x4x16x8x128xf32, #tpu.memory_space<hbm>> -> memref<1x4x1x8x128xf32, #tpu.memory_space<hbm>>
      %dma_start3A_532 = tpu.memref_squeeze %dma_start3A_531 : memref<1x4x1x8x128xf32, #tpu.memory_space<hbm>> -> memref<4x1x8x128xf32, #tpu.memory_space<hbm>>
      %dma_start3A_533 = arith.constant 0 : i32
      %dma_start3A_534 = arith.constant 15 : i32
      %dma_start3A_535 = arith.constant 0 : i32
      %dma_start3A_536 = arith.constant 0 : i32
      %dma_start3A_537 = tpu.memref_slice %arg3[%add3A_66, %dma_start3A_533, %dma_start3A_534, %dma_start3A_535, %dma_start3A_536] : memref<2048x4x16x8x128xf32, #tpu.memory_space<hbm>> -> memref<1x4x1x8x128xf32, #tpu.memory_space<hbm>>
      %dma_start3A_538 = tpu.memref_squeeze %dma_start3A_537 : memref<1x4x1x8x128xf32, #tpu.memory_space<hbm>> -> memref<4x1x8x128xf32, #tpu.memory_space<hbm>>
      %dma_start3A_539 = arith.constant 0 : i32
      %dma_start3A_540 = arith.constant 0 : i32
      %dma_start3A_541 = arith.constant 0 : i32
      %dma_start3A_542 = tpu.memref_slice %arg4[%dma_start3A_539, %dma_start3A_540, %dma_start3A_541, %multiple_of3A_522] : memref<4x1x8x768xf32, #tpu.memory_space<vmem>> -> memref<4x1x8x128xf32, #tpu.memory_space<vmem>>
      tpu.enqueue_dma source(%dma_start3A_542 : memref<4x1x8x128xf32, #tpu.memory_space<vmem>>) target(%dma_start3A_538 : memref<4x1x8x128xf32, #tpu.memory_space<hbm>>) target_semaphore(%arg5 : memref<!tpu.dma_semaphore, #tpu.memory_space<semaphore_mem>>)
      %gt3A = arith.constant 0 : i32
      %gt3A_543 = arith.cmpi sgt, %scan3A_60, %gt3A : i32
      %convert_element_type3A = arith.extui %gt3A_543 : i1 to i32
      %cond3A = arith.constant 0 : i32
      %cond3A_544 = arith.cmpi ne, %convert_element_type3A, %cond3A : i32
      scf.if %cond3A_544 {
        %scan3A_545 = arith.constant 0 : i32
        %scan3A_546 = arith.constant 0 : i32
        %scan3A_547 = arith.constant 16 : i32
        %scan3A_548 = arith.addi %scan3A_546, %scan3A_547 : i32
        %scan3A_549 = arith.constant 1 : i32
        scf.for %scan3A_551 = %scan3A_546 to %scan3A_548 step %scan3A_549  : i32 {
          %dma_wait3A = arith.constant 0 : i32
          %dma_wait3A_552 = arith.constant 0 : i32
          %dma_wait3A_553 = arith.constant 0 : i32
          %dma_wait3A_554 = arith.constant 0 : i32
          %dma_wait3A_555 = tpu.memref_slice %arg4[%dma_wait3A, %dma_wait3A_552, %dma_wait3A_553, %dma_wait3A_554] : memref<4x1x8x768xf32, #tpu.memory_space<vmem>> -> memref<4x1x8x128xf32, #tpu.memory_space<vmem>>
          %dma_wait3A_556 = arith.constant 0 : i32
          %dma_wait3A_557 = arith.constant 0 : i32
          %dma_wait3A_558 = arith.constant 0 : i32
          %dma_wait3A_559 = arith.constant 0 : i32
          %dma_wait3A_560 = tpu.memref_slice %arg3[%add3A_66, %dma_wait3A_556, %dma_wait3A_557, %dma_wait3A_558, %dma_wait3A_559] : memref<2048x4x16x8x128xf32, #tpu.memory_space<hbm>> -> memref<1x4x1x8x128xf32, #tpu.memory_space<hbm>>
          %dma_wait3A_561 = tpu.memref_squeeze %dma_wait3A_560 : memref<1x4x1x8x128xf32, #tpu.memory_space<hbm>> -> memref<4x1x8x128xf32, #tpu.memory_space<hbm>>
          %dma_wait3A_562 = arith.constant 0 : i32
          %dma_wait3A_563 = arith.constant 0 : i32
          %dma_wait3A_564 = arith.constant 0 : i32
          %dma_wait3A_565 = arith.constant 0 : i32
          %dma_wait3A_566 = tpu.memref_slice %arg3[%add3A_66, %dma_wait3A_562, %dma_wait3A_563, %dma_wait3A_564, %dma_wait3A_565] : memref<2048x4x16x8x128xf32, #tpu.memory_space<hbm>> -> memref<1x4x1x8x128xf32, #tpu.memory_space<hbm>>
          %dma_wait3A_567 = tpu.memref_squeeze %dma_wait3A_566 : memref<1x4x1x8x128xf32, #tpu.memory_space<hbm>> -> memref<4x1x8x128xf32, #tpu.memory_space<hbm>>
          %dma_wait3A_568 = arith.constant 0 : i32
          %dma_wait3A_569 = arith.constant 0 : i32
          %dma_wait3A_570 = arith.constant 0 : i32
          %dma_wait3A_571 = arith.constant 0 : i32
          %dma_wait3A_572 = tpu.memref_slice %arg4[%dma_wait3A_568, %dma_wait3A_569, %dma_wait3A_570, %dma_wait3A_571] : memref<4x1x8x768xf32, #tpu.memory_space<vmem>> -> memref<4x1x8x128xf32, #tpu.memory_space<vmem>>
          tpu.wait_dma2 semaphore(%arg5 : memref<!tpu.dma_semaphore, #tpu.memory_space<semaphore_mem>>) src(%dma_wait3A_572 : memref<4x1x8x128xf32, #tpu.memory_space<vmem>>) dst(%dma_wait3A_567 : memref<4x1x8x128xf32, #tpu.memory_space<hbm>>)
        }
        %scan3A_550 = arith.constant 16 : i32
      } else {
      }
    }
    %scan3A_53 = arith.constant 64 : i32
    %scan3A_54 = arith.constant 0 : i32
    %scan3A_55 = arith.constant 0 : i32
    %scan3A_56 = arith.constant 16 : i32
    %scan3A_57 = arith.addi %scan3A_55, %scan3A_56 : i32
    %scan3A_58 = arith.constant 1 : i32
    scf.for %scan3A_60 = %scan3A_55 to %scan3A_57 step %scan3A_58  : i32 {
      %dma_wait3A = arith.constant 0 : i32
      %dma_wait3A_61 = arith.constant 0 : i32
      %dma_wait3A_62 = arith.constant 0 : i32
      %dma_wait3A_63 = arith.constant 0 : i32
      %dma_wait3A_64 = tpu.memref_slice %arg4[%dma_wait3A, %dma_wait3A_61, %dma_wait3A_62, %dma_wait3A_63] : memref<4x1x8x768xf32, #tpu.memory_space<vmem>> -> memref<4x1x8x128xf32, #tpu.memory_space<vmem>>
      %dma_wait3A_65 = arith.constant 0 : i32
      %dma_wait3A_66 = arith.constant 0 : i32
      %dma_wait3A_67 = arith.constant 0 : i32
      %dma_wait3A_68 = arith.constant 0 : i32
      %dma_wait3A_69 = tpu.memref_slice %arg3[%select_n3A_9, %dma_wait3A_65, %dma_wait3A_66, %dma_wait3A_67, %dma_wait3A_68] : memref<2048x4x16x8x128xf32, #tpu.memory_space<hbm>> -> memref<1x4x1x8x128xf32, #tpu.memory_space<hbm>>
      %dma_wait3A_70 = tpu.memref_squeeze %dma_wait3A_69 : memref<1x4x1x8x128xf32, #tpu.memory_space<hbm>> -> memref<4x1x8x128xf32, #tpu.memory_space<hbm>>
      %dma_wait3A_71 = arith.constant 0 : i32
      %dma_wait3A_72 = arith.constant 0 : i32
      %dma_wait3A_73 = arith.constant 0 : i32
      %dma_wait3A_74 = arith.constant 0 : i32
      %dma_wait3A_75 = tpu.memref_slice %arg3[%select_n3A_9, %dma_wait3A_71, %dma_wait3A_72, %dma_wait3A_73, %dma_wait3A_74] : memref<2048x4x16x8x128xf32, #tpu.memory_space<hbm>> -> memref<1x4x1x8x128xf32, #tpu.memory_space<hbm>>
      %dma_wait3A_76 = tpu.memref_squeeze %dma_wait3A_75 : memref<1x4x1x8x128xf32, #tpu.memory_space<hbm>> -> memref<4x1x8x128xf32, #tpu.memory_space<hbm>>
      %dma_wait3A_77 = arith.constant 0 : i32
      %dma_wait3A_78 = arith.constant 0 : i32
      %dma_wait3A_79 = arith.constant 0 : i32
      %dma_wait3A_80 = arith.constant 0 : i32
      %dma_wait3A_81 = tpu.memref_slice %arg4[%dma_wait3A_77, %dma_wait3A_78, %dma_wait3A_79, %dma_wait3A_80] : memref<4x1x8x768xf32, #tpu.memory_space<vmem>> -> memref<4x1x8x128xf32, #tpu.memory_space<vmem>>
      tpu.wait_dma2 semaphore(%arg5 : memref<!tpu.dma_semaphore, #tpu.memory_space<semaphore_mem>>) src(%dma_wait3A_81 : memref<4x1x8x128xf32, #tpu.memory_space<vmem>>) dst(%dma_wait3A_76 : memref<4x1x8x128xf32, #tpu.memory_space<hbm>>)
    }
    %scan3A_59 = arith.constant 16 : i32
    return
  }
}

</mosaic_0001>

<sc_bundles>
// kernel: kernel.3.cloned.1.call-start
scs
__scs_entry_jumppad:
0x0: {  	(pc) =	sbr.rel $0x88, $3  }
0x1: {  	(tag) =	ssettag $0x0;
	lr =	simm.s32 $0x1  }
0x2: {  	[smem:$0x3FA0] =	sst lr;
	_ =	strace $0xD0000000  }
0x3: {  	_ = 	snop  }
0x4: {  	_ = 	snop  }
0x5: {  	_ = 	snop  }
0x6: {  	_ = 	snop  }
0x7: {  	_ = 	snop  }
__scs_overlays_trampoline_lowered:
0x8: {  	[smem:$0x3FAF] =	sst s0  }
0x9: {  	[smem:$0x3FB0] =	sst s1  }
0xa: {  	[smem:$0x3FB1] =	sst s2  }
0xb: {  	[smem:$0x3FB2] =	sst s3  }
0xc: {  	[smem:$0x3FB3] =	sst s4  }
0xd: {  	[smem:$0x3FB4] =	sst s5  }
0xe: {  	[smem:$0x3FB5] =	sst s6  }
0xf: {  	[smem:$0x3FB6] =	sst s7  }
0x10: {  	[smem:$0x3FB7] =	sst s8  }
0x11: {  	[smem:$0x3FB8] =	sst s9;
	s0 =	simm.s32 @!p0 $0x0  }
0x12: {  	s1 =	sld [smem:$0x3F9E];
	s0 =	simm.s32 @p0 $0x1  }
0x13: {  	[smem:$0x3FB9] =	sst s0;
	s0 =	simm.s32 @!p1 $0x0  }
0x14: {  	s2 =	sld [smem:$0x3F9D];
	s0 =	simm.s32 @p1 $0x1  }
0x15: {  	[smem:$0x3FBA] =	sst s0;
	s0 =	simm.s32 @!p2 $0x0  }
0x16: {  	s3 =	sld [smem:$0x3FDB];
	s0 =	simm.s32 @p2 $0x1  }
0x17: {  	s4 =	simm.s32 $0x1BF5;
	[smem:$0x3FBC] =	sst s0  }
0x18: {  	s0 =	sld [smem:$0x3F9F];
	_ =	swait.ge [sflag:s4], $0x0  }
0x19: {  	s7 =	sld [smem:$0x3FA0]  }
0x1a: {  	s8 =	sadd.s32 $0xFFFFE003, lr  }
0x1b: {  	s9 =	sadd.s32 $0xFFFFFEF7, lr;
	s5 =	simm.s32 $0xFFFFFFFF;
	p2 =	slt.u32 s8, $0xFFFFF086  }
0x1c: {  	p1 =	slt.u32 s9, $0xF7A;
	s5 =	simm.s32 @!p2 $0x0  }
0x1d: {  	s5 =	simm.s32 @p1 $0x1;
	p0 =	seq.s32 s7, s2  }
0x1e: {  	s7 =	smul.u32 @!p0 $0xF7A, s2;
	p2 =	seq.s32 @!p0 s5, $0x0  }
0x1f: {  	s9 =	smul.u32 $0xF7A, s1;
	s8 =	simm.s32 @!p0 $0x1BF5;
	p2 =	por !p2, p0  }
0x20: {  	[sflag:s8] =	ssyncset.s32 @!p0 $0xFFFFF086;
	s6 =	sadd.s32 @!p0 s3, s7;
	s7 =	simm.s32 @!p0 $0x108  }
0x21: {  	s3 =	sadd.s32 s3, s9;
	s6 =	sadd.s32 @!p0 $0x88, s6;
	s7 =	simm.s32 @p2 $0x1082  }
0x22: {  	[simem:s7], [sflag:s8] =	dma.local @!p0 [hbm:s6], $0xF7A  }
0x23: {  	s9 =	sor.u32 $0xD0000000, s2;
	s6 =	simm.s32 $0x108;
	_ =	swait.ge @!p0 [sflag:s8], $0x0  }
0x24: {  	s3 =	sadd.s32 $0x88, s3;
	s6 =	simm.s32 @!p1 $0x1082;
	[sflag:s4] =	ssyncset.s32 $0xFFFFF086  }
0x25: {  	[simem:s6], [sflag:s4] =	dma.local [hbm:s3], $0xF7A  }
0x26: {  	[smem:$0x3FA0] =	sst s1;
	(tag) =	ssettag s2;
	_ =	strace s9  }
0x27: {  	s1 =	sld [smem:$0x3FB0]  }
0x28: {  	s2 =	sld [smem:$0x3FB1]  }
0x29: {  	s4 =	sld [smem:$0x3FB3]  }
0x2a: {  	p0 =	seq.s32 s5, $0x0;
	s5 =	sld [smem:$0x3FB4]  }
0x2b: {  	s6 =	sld [smem:$0x3FB5]  }
0x2c: {  	s7 =	sld [smem:$0x3FB6]  }
0x2d: {  	s3 =	simm.s32 $0x108;
	s8 =	sld [smem:$0x3FB7]  }
0x2e: {  	s3 =	simm.s32 @!p0 $0x1082;
	s9 =	sld [smem:$0x3FB8]  }
0x2f: {  	lr =	sadd.s32 s0, s3;
	s0 =	sld [smem:$0x3FAF]  }
0x30: {  	s3 =	sld [smem:$0x3FB2]  }
0x31: {  	[smem:$0x3FBB] =	sst s10  }
0x32: {  	s10 =	sld [smem:$0x3FB9];
	_ =	sdelay $0x3  }
0x33: {  	p0 =	seq.s32 s10, $0x1;
	s10 =	sld [smem:$0x3FBB];
	_ =	sdelay $0x3  }
0x34: {  	[smem:$0x3FBB] =	sst s10  }
0x35: {  	s10 =	sld [smem:$0x3FBA];
	_ =	sdelay $0x3  }
0x36: {  	p1 =	seq.s32 s10, $0x1;
	s10 =	sld [smem:$0x3FBB];
	_ =	sdelay $0x3  }
0x37: {  	[smem:$0x3FBB] =	sst s10  }
0x38: {  	s10 =	sld [smem:$0x3FBC]  }
0x39: {  	_ = 	snop;
	(pc) =	sbr.ind lr, $3  }
0x3a: {  	_ = 	snop  }
0x3b: {  	_ = 	snop  }
0x3c: {  	p2 =	seq.s32 s10, $0x1;
	s10 =	sld [smem:$0x3FBB]  }
0x3d: {  	_ =	shalt  }
0x3e: {  	_ =	shalt  }
0x3f: {  	_ =	shalt  }
0x40: {  	_ =	shalt  }
0x41: {  	_ =	shalt  }
0x42: {  	_ =	shalt  }
0x43: {  	_ =	shalt  }
0x44: {  	_ =	shalt  }
0x45: {  	_ =	shalt  }
0x46: {  	_ =	shalt  }
0x47: {  	_ =	shalt  }
0x48: {  	_ =	shalt  }
0x49: {  	_ =	shalt  }
0x4a: {  	_ =	shalt  }
0x4b: {  	_ =	shalt  }
0x4c: {  	_ =	shalt  }
0x4d: {  	_ =	shalt  }
0x4e: {  	_ =	shalt  }
0x4f: {  	_ =	shalt  }
0x50: {  	_ =	shalt  }
0x51: {  	_ =	shalt  }
0x52: {  	_ =	shalt  }
0x53: {  	_ =	shalt  }
0x54: {  	_ =	shalt  }
0x55: {  	_ =	shalt  }
0x56: {  	_ =	shalt  }
0x57: {  	_ =	shalt  }
0x58: {  	_ =	shalt  }
0x59: {  	_ =	shalt  }
0x5a: {  	_ =	shalt  }
0x5b: {  	_ =	shalt  }
0x5c: {  	_ =	shalt  }
0x5d: {  	_ =	shalt  }
0x5e: {  	_ =	shalt  }
0x5f: {  	_ =	shalt  }
0x60: {  	_ =	shalt  }
0x61: {  	_ =	shalt  }
0x62: {  	_ =	shalt  }
0x63: {  	_ =	shalt  }
0x64: {  	_ =	shalt  }
0x65: {  	_ =	shalt  }
0x66: {  	_ =	shalt  }
0x67: {  	_ =	shalt  }
0x68: {  	_ =	shalt  }
0x69: {  	_ =	shalt  }
0x6a: {  	_ =	shalt  }
0x6b: {  	_ =	shalt  }
0x6c: {  	_ =	shalt  }
0x6d: {  	_ =	shalt  }
0x6e: {  	_ =	shalt  }
0x6f: {  	_ =	shalt  }
0x70: {  	_ =	shalt  }
0x71: {  	_ =	shalt  }
0x72: {  	_ =	shalt  }
0x73: {  	_ =	shalt  }
0x74: {  	_ =	shalt  }
0x75: {  	_ =	shalt  }
0x76: {  	_ =	shalt  }
0x77: {  	_ =	shalt  }
0x78: {  	_ =	shalt  }
0x79: {  	_ =	shalt  }
0x7a: {  	_ =	shalt  }
0x7b: {  	_ =	shalt  }
0x7c: {  	_ =	shalt  }
0x7d: {  	_ =	shalt  }
0x7e: {  	_ =	shalt  }
0x7f: {  	_ =	shalt  }
0x80: {  	_ =	shalt  }
0x81: {  	_ =	shalt  }
0x82: {  	_ =	shalt  }
0x83: {  	_ =	shalt  }
0x84: {  	_ =	shalt  }
0x85: {  	_ =	shalt  }
0x86: {  	_ =	shalt  }
0x87: {  	_ =	shalt  }
.Lfunc_end0:
.L_simem_size_0:
called_computation_lowered:
.L_overlay_start_0:
0x88: {  	s2 =	sld [smem:$0x3FD9]  }
0x89: {  	s3 =	sld [smem:$0x3FFE];
	_ =	sdelay $0x1  }
0x8a: {  	s1 =	srdreg.scid  }
0x8b: {  	s0 =	sand.u32 $0x1, s1  }
0x8c: {  	s17 =	sshll.u32 s0, $0xA;
	s2 =	sadd.s32 s3, s2  }
0x8d: {  	s2 =	sadd.s32 s2, s17  }
0x8e: {  	[smem:$0x3FC7] =	sst s2  }
0x8f: {  	_ = 	snop  }
0x90: {  	s2 =	sld [smem:$0x3FD0];
	(tm) =	ssettm $0x1  }
0x91: {  	s18 =	sld [smem:$0x3FFB];
	_ =	sdelay $0x3  }
0x92: {  	_ =	strace s18  }
0x93: {  	s3 =	sld [smem:$0x3FFC];
	_ =	sdelay $0x3  }
0x94: {  	_ =	strace s3  }
0x95: {  	s3 =	sld [smem:$0x3FFD];
	_ =	sdelay $0x3  }
0x96: {  	_ =	strace s3  }
0x97: {  	_ =	strace $0x8FFFFFFF  }
0x98: {  	s19 =	sld [smem:$0x3FDB];
	_ =	sdelay $0x1  }
0x99: {  	s4 =	simm.s32 $_scs_section_size  }
0x9a: {  	s5 =	simm.s32 $_size__tile_overlayer_lowered;
	s6 =	simm.s32 $_tile_overlayer_lowered  }
0x9b: {  	s22 =	simm.s32 $0x1BFF;
	s21 =	sshll.u32 s6, $0x1;
	s3 =	sadd.s32 s4, s19  }
0x9c: {  	s7 =	simm.s32 $0x0;
	s20 =	sshll.u32 s5, $0x1;
	s5 =	sadd.s32 s21, s3  }
0x9d: {  	[timem:s7], [sflag:s22] =	dma.local [hbm:s5], s20  }
0x9e: {  	_ =	swait.ge [sflag:s22], s20  }
0x9f: {  	s4 =	ssub.s32 $0x0, s20;
	[sflag:s22] =	ssyncset.done $0x0  }
0xa0: {  	[sflag:s22] =	ssyncadd.s32 s4;
	_ =	sdelay $0x1  }
0xa1: {  	s23 =	simm.s32 $0x1B8B  }
0xa2: {  	_ =	swait.ge [sflag:s23], $0x1  }
0xa3: {  	[sflag:s23] =	ssyncset.done $0x0  }
0xa4: {  	s25 =	simm.s32 $0x1B8E;
	s24 =	sld [smem:$0x3FFE];
	[sflag:s23] =	ssyncadd.s32 $0xFFFFFFFF  }
0xa5: {  	s26 =	simm.s32 $execute0_lowered;
	[smem:$0x3FD2] =	sst s25  }
0xa6: {  	s5 =	sshll.u32 s26, $0x1;
	_ =	strace $0x80000046;
	[dreg:$0x1] =	wrdreg $0xFFFFFFFF  }
0xa7: {  	s28 =	simm.s32 $_size_execute0_lowered;
	s3 =	sadd.s32 s3, s5;
	[dreg:$0x0] =	wrdreg $0x0  }
0xa8: {  	s5 =	sshll.u32 s28, $0x1;
	[dreg:$0x2] =	wrdreg s3  }
0xa9: {  	[dreg:$0x3] =	wrdreg s5  }
0xaa: {  	[dreg:$0x4] =	wrdreg $0xC0  }
0xab: {  	_ =	task [dreg:s7], $0x5FFFF  }
0xac: {  	[dreg:$0x1] =	wrdreg $0xFFFFFFFF  }
0xad: {  	[dreg:$0x0] =	wrdreg $0x60  }
0xae: {  	[dreg:$0x2] =	wrdreg s24  }
0xaf: {  	[dreg:$0x3] =	wrdreg s2  }
0xb0: {  	[dreg:$0x4] =	wrdreg $0x9  }
0xb1: {  	_ =	task.clear_ibuf [dreg:s7], $0x5FFFF;
	_ =	strace $0x90000046  }
0xb2: {  	s29 =	simm.s32 $0x9;
	_ =	strace $0x80000048  }
0xb3: {  	_ =	swait.ge [sflag:s29], $0x1  }
0xb4: {  	[sflag:s29] =	ssyncadd.s32 $0xFFFFFFFF  }
0xb5: {  	_ =	strace $0x90000048  }
0xb6: {  	_ =	sfence  }
0xb7: {  	s30 =	sld [smem:$0x0];
	_ =	sdelay $0x2  }
0xb8: {  	s31 =	sshll.u32 s1, $0xD;
	s1 =	sshrl.u32 s1, $0x2  }
0xb9: {  	s3 =	sand.u32 $0x4000, s31;
	s1 =	sadd.s32 s1, s30  }
0xba: {  	s0 =	sor.u32 s3, s0;
	s1 =	sshll.u32 s1, $0x11  }
0xbb: {  	s0 =	sor.u32 s1, s0  }
0xbc: {  	s0 =	sadd.s32 $0x8F2B, s0  }
0xbd: {  	[sflag:s0] =	ssyncadd.remote.s32 $0x1  }
0xbe: {  	_ =	sfence.sel $0xFFFF  }
0xbf: {  	[dreg:$0x0] =	wrdreg $0xFFFFFFFF;
	(pc) =	sbr.abs _section_cstart, $3  }
0xc0: {  	[dreg:$0x1] =	wrdreg $0xFFFFFFFF  }
0xc1: {  	_ =	task.clear_ibuf [dreg:s7], $0x2FFFF;
	_ =	strace $0x9FFFFFFF  }
0xc2: {  	(tm) =	ssettm $0x7FFFFFFF  }
0xc3: {  	_ =	shalt  }
tec
execute0_lowered:
.L_overlay_start_1:
0x0: {  	(tag) =	ssettag $0x1  }
0x1: {  	s0 =	rddreg [dreg:$0x0]  }
0x2: {  	s10 =	rddreg [dreg:$0x1];
	s3 =	simm.s32 $0x0  }
0x3: {  	s8 =	stileid.u32;
	[smem:$0x7FF] =	sst s3;
	s28 =	sadd.s32 $0x80, s10  }
0x4: {  	s29 =	sadd.s32 $0x100, s10;
	_ =	strace $0x80000047;
	[dreg:$0x5] =	wrdreg s28  }
0x5: {  	s1 =	srdreg.scid;
	s30 =	sadd.s32 $0x180, s10;
	[dreg:$0x6] =	wrdreg s29  }
0x6: {  	s2 =	sshll.u32 s8, $0x1;
	s19 =	sadd.s32 $0x200, s10;
	[dreg:$0x7] =	wrdreg s30  }
0x7: {  	s1 =	sand.u32 $0x1, s1;
	s20 =	sadd.s32 $0x280, s10;
	[dreg:$0x19] =	wrdreg s19  }
0x8: {  	s8 =	sshll.u32 s8, $0x7;
	s21 =	sadd.s32 $0x300, s10;
	[dreg:$0x1a] =	wrdreg s20  }
0x9: {  	s22 =	sadd.s32 $0x380, s10;
	s23 =	sadd.s32 $0x400, s10;
	[dreg:$0x1b] =	wrdreg s21  }
0xa: {  	s2 =	sand.u32 $0x6, s2;
	s7 =	ssub.s32 $0x2, s1;
	[dreg:$0x1c] =	wrdreg s22  }
0xb: {  	s8 =	sand.u32 $0x600, s8;
	[dreg:$0x1d] =	wrdreg s23;
	s28 =	sadd.s32 $0x600, s10  }
0xc: {  	s29 =	sadd.s32 $0x680, s10;
	s30 =	sadd.s32 $0x700, s10;
	[smem:$0x7FA] =	sst s28  }
0xd: {  	s4 =	sor.u32 s1, s2;
	s9 =	sshrl.u32 s7, $0x1;
	[smem:$0x7FB] =	sst s29  }
0xe: {  	[smem:$0x7FC] =	sst s30;
	s24 =	ssub.s32 s7, s9;
	s25 =	sor.u32 s4, s8  }
0xf: {  	s5 =	sxor.u32 $0x7, s4;
	[dreg:$0x4] =	wrdreg s25;
	s31 =	smax.u32 s24, $0x1  }
0x10: {  	s6 =	smul.u32 $0xC00, s5;
	s24 =	sadd.s32 $0x480, s10;
	[dreg:$0x8] =	wrdreg s31  }
0x11: {  	s5 =	sor.u32 s8, s5;
	s25 =	sadd.s32 $0x500, s10;
	[dreg:$0x1e] =	wrdreg s24  }
0x12: {  	[dreg:$0x1f] =	wrdreg s25;
	s31 =	sadd.s32 $0x780, s10;
	s0 =	sadd.s32 s6, s0  }
0x13: {  	s26 =	sadd.s32 s2, s5;
	[smem:$0x7FD] =	sst s31;
	s0 =	sadd.s32 $0x400, s0  }
0x14: {  	[dreg:$0x3] =	wrdreg s0;
	s0 =	sadd.s32 s1, s26;
	s26 =	sadd.s32 $0x580, s10  }
0x15: {  	s2 =	ssub.s32 $0x17F, s0;
	[smem:$0x7F9] =	sst s26  }
0x16: {  	s4 =	ssub.s32 $0x1FF, s0;
	[dreg:$0x9] =	wrdreg s2  }
0x17: {  	s5 =	ssub.s32 $0x27F, s0;
	[dreg:$0xa] =	wrdreg s4  }
0x18: {  	s6 =	ssub.s32 $0x2FF, s0;
	[dreg:$0xb] =	wrdreg s5  }
0x19: {  	s7 =	ssub.s32 $0x37F, s0;
	[dreg:$0xc] =	wrdreg s6  }
0x1a: {  	s8 =	ssub.s32 $0x3FF, s0;
	[dreg:$0xd] =	wrdreg s7  }
0x1b: {  	s9 =	ssub.s32 $0x47F, s0;
	[dreg:$0xe] =	wrdreg s8  }
0x1c: {  	s11 =	ssub.s32 $0x4FF, s0;
	[dreg:$0xf] =	wrdreg s9  }
0x1d: {  	s12 =	ssub.s32 $0x57F, s0;
	[dreg:$0x10] =	wrdreg s11  }
0x1e: {  	s13 =	ssub.s32 $0x5FF, s0;
	[dreg:$0x11] =	wrdreg s12  }
0x1f: {  	s14 =	sxor.u32 $0x67F, s0;
	[dreg:$0x12] =	wrdreg s13  }
0x20: {  	s15 =	sxor.u32 $0x6FF, s0;
	[dreg:$0x13] =	wrdreg s14  }
0x21: {  	s16 =	sxor.u32 $0x77F, s0;
	[dreg:$0x14] =	wrdreg s15  }
0x22: {  	s17 =	sxor.u32 $0x7FF, s0;
	[dreg:$0x15] =	wrdreg s16  }
0x23: {  	s18 =	ssub.s32 $0x87F, s0;
	[dreg:$0x16] =	wrdreg s17  }
0x24: {  	s0 =	ssub.s32 $0x8FF, s0;
	[dreg:$0x17] =	wrdreg s18  }
0x25: {  	[dreg:$0x18] =	wrdreg s0;
	s2 =	simm.s32 $0x0  }
.LBB2_1:
0x26: {  	[smem:$0x7F8] =	sst s2  }
0x27: {  	s0 =	rddreg [dreg:$0x3];
	s31 =	simm.s32 $0x2  }
0x28: {  	[tilespmem:s3], [sflag:$0x2] =	stream.linear.gather [hbm4b:s0+s3], $0x6000, $0x38;
	[tilespmem:$0x6000] =	vst v63  }
0x29: {  	_ =	swait.ge [sflag:s31], $0x6000  }
0x2a: {  	s0 =	rddreg [dreg:$0x18]  }
0x2b: {  	s1 =	rddreg [dreg:$0x17]  }
0x2c: {  	s4 =	rddreg [dreg:$0x16]  }
0x2d: {  	s9 =	rddreg [dreg:$0x15]  }
0x2e: {  	s10 =	rddreg [dreg:$0x14]  }
0x2f: {  	s11 =	rddreg [dreg:$0x13]  }
0x30: {  	s12 =	rddreg [dreg:$0x12]  }
0x31: {  	s16 =	rddreg [dreg:$0x11]  }
0x32: {  	s17 =	rddreg [dreg:$0x10]  }
0x33: {  	s18 =	rddreg [dreg:$0xf]  }
0x34: {  	s13 =	rddreg [dreg:$0xe]  }
0x35: {  	s15 =	rddreg [dreg:$0xd]  }
0x36: {  	s2 =	rddreg [dreg:$0xc]  }
0x37: {  	s14 =	rddreg [dreg:$0xb]  }
0x38: {  	[sflag:s31] =	ssyncset.done $0x0;
	s5 =	rddreg [dreg:$0xa]  }
0x39: {  	s7 =	simm.s32 $0x0;
	s6 =	rddreg [dreg:$0x9];
	[sflag:s31] =	ssyncadd.s32 $0xFFFFA000  }
.LBB2_2:
0x3a: {  	[smem:$0x7EE] =	sst s0  }
0x3b: {  	[smem:$0x7EF] =	sst s1  }
0x3c: {  	[smem:$0x7F0] =	sst s4  }
0x3d: {  	[smem:$0x7F1] =	sst s9  }
0x3e: {  	[smem:$0x7F2] =	sst s10  }
0x3f: {  	[smem:$0x7F3] =	sst s11  }
0x40: {  	s21 =	smin.u32 s0, $0x280;
	s22 =	smin.u32 s1, $0x280;
	[smem:$0x7F4] =	sst s12  }
0x41: {  	p0 =	sgt.s32 s4, $0x0;
	s1 =	smov.u32 s4;
	[smem:$0x7F5] =	sst s16  }
0x42: {  	s0 =	smov.u32 s9;
	s4 =	smov.u32 s10;
	[smem:$0x7F6] =	sst s17  }
0x43: {  	[smem:$0x7F7] =	sst s18;
	s24 =	sshll.u32 s7, $0x3;
	s19 =	smov.u32 s2  }
0x44: {  	s25 =	rddreg [dreg:$0x4];
	s8 =	sand.u32 $0x3F8, s21;
	s26 =	sand.u32 $0x3F8, s22  }
0x45: {  	s1 =	simm.s32 @!p0 $0x0;
	p0 =	sgt.s32 s9, $0x0;
	s9 =	smov.u32 s17  }
0x46: {  	s1 =	smin.u32 s1, $0x280;
	s0 =	simm.s32 @!p0 $0x0;
	p0 =	sgt.s32 s10, $0x0  }
0x47: {  	s10 =	smov.u32 s18;
	s29 =	sand.u32 $0x3F8, s1;
	s0 =	smin.u32 s0, $0x280  }
0x48: {  	s4 =	simm.s32 @!p0 $0x0;
	p0 =	sgt.s32 s11, $0x0;
	s1 =	smov.u32 s11  }
0x49: {  	s11 =	smov.u32 s13;
	s30 =	sand.u32 $0x3F8, s0;
	s23 =	smin.u32 s4, $0x280  }
0x4a: {  	s1 =	simm.s32 @!p0 $0x0;
	p0 =	sgt.s32 s12, $0x0;
	s0 =	smov.u32 s12  }
0x4b: {  	s4 =	smov.u32 s16;
	s12 =	smov.u32 s15;
	s31 =	sand.u32 $0x3F8, s23  }
0x4c: {  	s1 =	smin.u32 s1, $0x280;
	s0 =	simm.s32 @!p0 $0x0;
	p0 =	sgt.s32 s16, $0x0  }
0x4d: {  	s23 =	rddreg [dreg:$0x1];
	s1 =	sand.u32 $0x3F8, s1;
	s0 =	smin.u32 s0, $0x280  }
0x4e: {  	s4 =	simm.s32 @!p0 $0x0;
	p0 =	sgt.s32 s17, $0x0;
	s17 =	smov.u32 s6  }
0x4f: {  	s0 =	sand.u32 $0x3F8, s0;
	s4 =	smin.u32 s4, $0x280;
	s9 =	simm.s32 @!p0 $0x0  }
0x50: {  	p0 =	sgt.s32 s18, $0x0;
	s18 =	sadd.s32 s25, s24;
	s4 =	sand.u32 $0x3F8, s4  }
0x51: {  	s9 =	smin.u32 s9, $0x280;
	s10 =	simm.s32 @!p0 $0x0;
	p0 =	sgt.s32 s13, $0x0  }
0x52: {  	s28 =	sshll.u32 s18, $0xD;
	s9 =	sand.u32 $0x3F8, s9;
	s11 =	simm.s32 @!p0 $0x0  }
0x53: {  	p0 =	sgt.s32 s15, $0x0;
	s10 =	smin.u32 s10, $0x280;
	s21 =	sadd.s32 s23, s28  }
0x54: {  	s11 =	smin.u32 s11, $0x280;
	s12 =	simm.s32 @!p0 $0x0;
	s10 =	sand.u32 $0x3F8, s10  }
0x55: {  	p0 =	sgt.s32 s6, $0x0;
	s16 =	sadd.s32 $0x10, s21;
	s23 =	sadd.s32 $0x20, s21  }
0x56: {  	s11 =	sand.u32 $0x3F8, s11;
	s17 =	simm.s32 @!p0 $0x0;
	p0 =	sgt.s32 s2, $0x0  }
0x57: {  	s12 =	smin.u32 s12, $0x280;
	s19 =	simm.s32 @!p0 $0x0;
	s22 =	sand.u32 $0x3FFFFFF8, s17  }
0x58: {  	s12 =	sand.u32 $0x3F8, s12;
	s20 =	smin.u32 s19, $0x280;
	s18 =	sadd.s32 $0x0, s22  }
0x59: {  	[hbm4b:s21+s3] =	stream.linear.scatter [tilespmem:s18], [sflag:$0x1], $0x80, $0x38;
	[tilespmem:$0x6000] =	vst v63  }
0x5a: {  	p0 =	sgt.s32 s14, $0x0;
	s17 =	sadd.s32 $0x70, s21;
	s25 =	sand.u32 $0x3F8, s20  }
0x5b: {  	s24 =	sadd.s32 $0x300, s18;
	s19 =	sadd.s32 $0x600, s18;
	s20 =	smov.u32 s14  }
0x5c: {  	[hbm4b:s16+s3] =	stream.linear.scatter [tilespmem:s24], [sflag:$0x1], $0x80, $0x38;
	[tilespmem:$0x6000] =	vst v63  }
0x5d: {  	s20 =	simm.s32 @!p0 $0x0;
	p0 =	sgt.s32 s5, $0x0;
	s24 =	sadd.s32 $0x900, s18  }
0x5e: {  	[hbm4b:s23+s3] =	stream.linear.scatter [tilespmem:s19], [sflag:$0x1], $0x80, $0x38;
	[tilespmem:$0x6000] =	vst v63  }
0x5f: {  	s16 =	sadd.s32 $0x30, s21;
	s19 =	sadd.s32 $0xC00, s18;
	s23 =	sadd.s32 $0xF00, s18  }
0x60: {  	[hbm4b:s16+s3] =	stream.linear.scatter [tilespmem:s24], [sflag:$0x1], $0x80, $0x38;
	[tilespmem:$0x6000] =	vst v63  }
0x61: {  	s24 =	sand.u32 $0x3FFFFFF8, s20;
	s20 =	sadd.s32 $0x40, s21;
	s16 =	sadd.s32 $0x50, s21  }
0x62: {  	[hbm4b:s20+s3] =	stream.linear.scatter [tilespmem:s19], [sflag:$0x1], $0x80, $0x38;
	[tilespmem:$0x6000] =	vst v63  }
0x63: {  	s20 =	smov.u32 s5;
	s19 =	sadd.s32 $0x1200, s18;
	s18 =	sadd.s32 $0x1500, s18  }
0x64: {  	[hbm4b:s16+s3] =	stream.linear.scatter [tilespmem:s23], [sflag:$0x1], $0x80, $0x38;
	[tilespmem:$0x6000] =	vst v63  }
0x65: {  	s20 =	simm.s32 @!p0 $0x0;
	s23 =	sadd.s32 $0x60, s21;
	s21 =	sadd.s32 $0x800, s21  }
0x66: {  	[hbm4b:s23+s3] =	stream.linear.scatter [tilespmem:s19], [sflag:$0x1], $0x80, $0x38;
	[tilespmem:$0x6000] =	vst v63  }
0x67: {  	s23 =	sand.u32 $0x3FFFFFF8, s20;
	s20 =	simm.s32 $0x1800;
	s19 =	simm.s32 $0xC000  }
.LBB2_3:
0x68: {  	[hbm4b:s17+s3] =	stream.linear.scatter [tilespmem:s18], [sflag:$0x1], $0x80, $0x38;
	[tilespmem:$0x6000] =	vst v63  }
0x69: {  	s17 =	smov.u32 s19  }
0x6a: {  	s16 =	sadd.s32 $0x6000, s19;
	s18 =	sadd.s32 s20, s22;
	s20 =	sshra.s32 s17, $0x2  }
0x6b: {  	[hbm4b:s21+s3] =	stream.linear.scatter [tilespmem:s18], [sflag:$0x1], $0x80, $0x38;
	[tilespmem:$0x6000] =	vst v63  }
0x6c: {  	p0 =	sne.s32 s19, $0x12000;
	s19 =	sadd.s32 $0x10, s21;
	s17 =	sadd.s32 $0x300, s18  }
0x6d: {  	[hbm4b:s19+s3] =	stream.linear.scatter [tilespmem:s17], [sflag:$0x1], $0x80, $0x38;
	[tilespmem:$0x6000] =	vst v63  }
0x6e: {  	s17 =	sadd.s32 $0x600, s18;
	s19 =	sadd.s32 $0x20, s21  }
0x6f: {  	[hbm4b:s19+s3] =	stream.linear.scatter [tilespmem:s17], [sflag:$0x1], $0x80, $0x38;
	[tilespmem:$0x6000] =	vst v63  }
0x70: {  	s17 =	sadd.s32 $0x900, s18;
	s19 =	sadd.s32 $0x30, s21  }
0x71: {  	[hbm4b:s19+s3] =	stream.linear.scatter [tilespmem:s17], [sflag:$0x1], $0x80, $0x38;
	[tilespmem:$0x6000] =	vst v63  }
0x72: {  	s17 =	sadd.s32 $0xC00, s18;
	s19 =	sadd.s32 $0x40, s21  }
0x73: {  	[hbm4b:s19+s3] =	stream.linear.scatter [tilespmem:s17], [sflag:$0x1], $0x80, $0x38;
	[tilespmem:$0x6000] =	vst v63  }
.Ltmp0:
0x74: {  	s17 =	sadd.s32 $0xF00, s18;
	s19 =	sadd.s32 $0x50, s21;
	(pc) =	sbr.rel @p0 .LBB2_3-.Ltmp0, $4  }
0x75: {  	[hbm4b:s19+s3] =	stream.linear.scatter [tilespmem:s17], [sflag:$0x1], $0x80, $0x38;
	[tilespmem:$0x6000] =	vst v63  }
0x76: {  	s17 =	sadd.s32 $0x1200, s18;
	s19 =	sadd.s32 $0x60, s21;
	s18 =	sadd.s32 $0x1500, s18  }
0x77: {  	[hbm4b:s19+s3] =	stream.linear.scatter [tilespmem:s17], [sflag:$0x1], $0x80, $0x38;
	[tilespmem:$0x6000] =	vst v63  }
0x78: {  	s17 =	sadd.s32 $0x70, s21;
	s21 =	sadd.s32 $0x800, s21;
	s19 =	smov.u32 s16  }
0x79: {  	[hbm4b:s17+s3] =	stream.linear.scatter [tilespmem:s18], [sflag:$0x1], $0x80, $0x38;
	[tilespmem:$0x6000] =	vst v63  }
0x7a: {  	s16 =	sadd.s32 s20, s22  }
0x7b: {  	[hbm4b:s21+s3] =	stream.linear.scatter [tilespmem:s16], [sflag:$0x1], $0x80, $0x38;
	[tilespmem:$0x6000] =	vst v63  }
0x7c: {  	s19 =	sadd.s32 $0x10, s21;
	s18 =	sadd.s32 $0x300, s16  }
0x7d: {  	[hbm4b:s19+s3] =	stream.linear.scatter [tilespmem:s18], [sflag:$0x1], $0x80, $0x38;
	[tilespmem:$0x6000] =	vst v63  }
0x7e: {  	s22 =	sadd.s32 $0x20, s21;
	s20 =	sadd.s32 $0x600, s16  }
0x7f: {  	[hbm4b:s22+s3] =	stream.linear.scatter [tilespmem:s20], [sflag:$0x1], $0x80, $0x38;
	[tilespmem:$0x6000] =	vst v63  }
0x80: {  	s18 =	sadd.s32 $0x900, s16;
	s19 =	sadd.s32 $0x30, s21  }
0x81: {  	[hbm4b:s19+s3] =	stream.linear.scatter [tilespmem:s18], [sflag:$0x1], $0x80, $0x38;
	[tilespmem:$0x6000] =	vst v63  }
0x82: {  	s20 =	sadd.s32 $0xC00, s16;
	s22 =	sadd.s32 $0x40, s21  }
0x83: {  	[hbm4b:s22+s3] =	stream.linear.scatter [tilespmem:s20], [sflag:$0x1], $0x80, $0x38;
	[tilespmem:$0x6000] =	vst v63  }
0x84: {  	s18 =	sadd.s32 $0xF00, s16;
	s19 =	sadd.s32 $0x50, s21  }
0x85: {  	[hbm4b:s19+s3] =	stream.linear.scatter [tilespmem:s18], [sflag:$0x1], $0x80, $0x38;
	[tilespmem:$0x6000] =	vst v63  }
0x86: {  	s20 =	sadd.s32 $0x1200, s16;
	s22 =	sadd.s32 $0x60, s21  }
0x87: {  	[hbm4b:s22+s3] =	stream.linear.scatter [tilespmem:s20], [sflag:$0x1], $0x80, $0x38;
	[tilespmem:$0x6000] =	vst v63  }
0x88: {  	s16 =	sadd.s32 $0x1500, s16;
	s18 =	sadd.s32 $0x70, s21;
	s19 =	rddreg [dreg:$0x5]  }
0x89: {  	[hbm4b:s18+s3] =	stream.linear.scatter [tilespmem:s16], [sflag:$0x1], $0x80, $0x38;
	[tilespmem:$0x6000] =	vst v63  }
0x8a: {  	s17 =	sadd.s32 $0x0, s23;
	s16 =	sadd.s32 s28, s19  }
0x8b: {  	[hbm4b:s16+s3] =	stream.linear.scatter [tilespmem:s17], [sflag:$0x1], $0x80, $0x38;
	[tilespmem:$0x6000] =	vst v63  }
0x8c: {  	s20 =	sadd.s32 $0x300, s17;
	s19 =	sadd.s32 $0x10, s16  }
0x8d: {  	[hbm4b:s19+s3] =	stream.linear.scatter [tilespmem:s20], [sflag:$0x1], $0x80, $0x38;
	[tilespmem:$0x6000] =	vst v63  }
0x8e: {  	s21 =	sadd.s32 $0x600, s17;
	s22 =	sadd.s32 $0x20, s16  }
0x8f: {  	[hbm4b:s22+s3] =	stream.linear.scatter [tilespmem:s21], [sflag:$0x1], $0x80, $0x38;
	[tilespmem:$0x6000] =	vst v63  }
0x90: {  	s19 =	sadd.s32 $0x900, s17;
	s20 =	sadd.s32 $0x30, s16  }
0x91: {  	[hbm4b:s20+s3] =	stream.linear.scatter [tilespmem:s19], [sflag:$0x1], $0x80, $0x38;
	[tilespmem:$0x6000] =	vst v63  }
0x92: {  	s21 =	sadd.s32 $0xC00, s17;
	s22 =	sadd.s32 $0x40, s16  }
0x93: {  	[hbm4b:s22+s3] =	stream.linear.scatter [tilespmem:s21], [sflag:$0x1], $0x80, $0x38;
	[tilespmem:$0x6000] =	vst v63  }
0x94: {  	s18 =	sadd.s32 $0x1500, s17;
	s19 =	sadd.s32 $0xF00, s17;
	s20 =	sadd.s32 $0x50, s16  }
0x95: {  	[hbm4b:s20+s3] =	stream.linear.scatter [tilespmem:s19], [sflag:$0x1], $0x80, $0x38;
	[tilespmem:$0x6000] =	vst v63  }
0x96: {  	s21 =	sadd.s32 $0x1200, s17;
	s22 =	sadd.s32 $0x60, s16;
	s17 =	sadd.s32 $0x70, s16  }
0x97: {  	[hbm4b:s22+s3] =	stream.linear.scatter [tilespmem:s21], [sflag:$0x1], $0x80, $0x38;
	[tilespmem:$0x6000] =	vst v63  }
0x98: {  	s20 =	simm.s32 $0x1800;
	s19 =	simm.s32 $0xC000;
	s21 =	sadd.s32 $0x800, s16  }
.LBB2_5:
0x99: {  	[hbm4b:s17+s3] =	stream.linear.scatter [tilespmem:s18], [sflag:$0x1], $0x80, $0x38;
	[tilespmem:$0x6000] =	vst v63  }
0x9a: {  	s16 =	smov.u32 s19  }
0x9b: {  	s22 =	sadd.s32 $0x6000, s19;
	s17 =	sadd.s32 s20, s23;
	s20 =	sshra.s32 s16, $0x2  }
0x9c: {  	[hbm4b:s21+s3] =	stream.linear.scatter [tilespmem:s17], [sflag:$0x1], $0x80, $0x38;
	[tilespmem:$0x6000] =	vst v63  }
0x9d: {  	p0 =	sne.s32 s19, $0x12000;
	s18 =	sadd.s32 $0x10, s21;
	s16 =	sadd.s32 $0x300, s17  }
0x9e: {  	[hbm4b:s18+s3] =	stream.linear.scatter [tilespmem:s16], [sflag:$0x1], $0x80, $0x38;
	[tilespmem:$0x6000] =	vst v63  }
0x9f: {  	s16 =	sadd.s32 $0x600, s17;
	s18 =	sadd.s32 $0x20, s21  }
0xa0: {  	[hbm4b:s18+s3] =	stream.linear.scatter [tilespmem:s16], [sflag:$0x1], $0x80, $0x38;
	[tilespmem:$0x6000] =	vst v63  }
0xa1: {  	s16 =	sadd.s32 $0x900, s17;
	s18 =	sadd.s32 $0x30, s21  }
0xa2: {  	[hbm4b:s18+s3] =	stream.linear.scatter [tilespmem:s16], [sflag:$0x1], $0x80, $0x38;
	[tilespmem:$0x6000] =	vst v63  }
0xa3: {  	s16 =	sadd.s32 $0xC00, s17;
	s18 =	sadd.s32 $0x40, s21  }
0xa4: {  	[hbm4b:s18+s3] =	stream.linear.scatter [tilespmem:s16], [sflag:$0x1], $0x80, $0x38;
	[tilespmem:$0x6000] =	vst v63  }
.Ltmp1:
0xa5: {  	s16 =	sadd.s32 $0xF00, s17;
	s18 =	sadd.s32 $0x50, s21;
	(pc) =	sbr.rel @p0 .LBB2_5-.Ltmp1, $4  }
0xa6: {  	[hbm4b:s18+s3] =	stream.linear.scatter [tilespmem:s16], [sflag:$0x1], $0x80, $0x38;
	[tilespmem:$0x6000] =	vst v63  }
0xa7: {  	s19 =	smov.u32 s22;
	s16 =	sadd.s32 $0x1200, s17;
	s18 =	sadd.s32 $0x60, s21  }
0xa8: {  	[hbm4b:s18+s3] =	stream.linear.scatter [tilespmem:s16], [sflag:$0x1], $0x80, $0x38;
	[tilespmem:$0x6000] =	vst v63  }
0xa9: {  	s18 =	sadd.s32 $0x1500, s17;
	s17 =	sadd.s32 $0x70, s21;
	s21 =	sadd.s32 $0x800, s21  }
0xaa: {  	[hbm4b:s17+s3] =	stream.linear.scatter [tilespmem:s18], [sflag:$0x1], $0x80, $0x38;
	[tilespmem:$0x6000] =	vst v63  }
0xab: {  	s16 =	sadd.s32 s20, s23  }
0xac: {  	[hbm4b:s21+s3] =	stream.linear.scatter [tilespmem:s16], [sflag:$0x1], $0x80, $0x38;
	[tilespmem:$0x6000] =	vst v63  }
0xad: {  	s20 =	sadd.s32 $0x10, s21;
	s19 =	sadd.s32 $0x300, s16  }
0xae: {  	[hbm4b:s20+s3] =	stream.linear.scatter [tilespmem:s19], [sflag:$0x1], $0x80, $0x38;
	[tilespmem:$0x6000] =	vst v63  }
0xaf: {  	s23 =	sadd.s32 $0x20, s21;
	s22 =	sadd.s32 $0x600, s16  }
0xb0: {  	[hbm4b:s23+s3] =	stream.linear.scatter [tilespmem:s22], [sflag:$0x1], $0x80, $0x38;
	[tilespmem:$0x6000] =	vst v63  }
0xb1: {  	s19 =	sadd.s32 $0x900, s16;
	s20 =	sadd.s32 $0x30, s21  }
0xb2: {  	[hbm4b:s20+s3] =	stream.linear.scatter [tilespmem:s19], [sflag:$0x1], $0x80, $0x38;
	[tilespmem:$0x6000] =	vst v63  }
0xb3: {  	s22 =	sadd.s32 $0xC00, s16;
	s23 =	sadd.s32 $0x40, s21  }
0xb4: {  	[hbm4b:s23+s3] =	stream.linear.scatter [tilespmem:s22], [sflag:$0x1], $0x80, $0x38;
	[tilespmem:$0x6000] =	vst v63  }
0xb5: {  	s19 =	sadd.s32 $0xF00, s16;
	s20 =	sadd.s32 $0x50, s21  }
0xb6: {  	[hbm4b:s20+s3] =	stream.linear.scatter [tilespmem:s19], [sflag:$0x1], $0x80, $0x38;
	[tilespmem:$0x6000] =	vst v63  }
0xb7: {  	s22 =	sadd.s32 $0x1200, s16;
	s23 =	sadd.s32 $0x60, s21  }
0xb8: {  	[hbm4b:s23+s3] =	stream.linear.scatter [tilespmem:s22], [sflag:$0x1], $0x80, $0x38;
	[tilespmem:$0x6000] =	vst v63  }
0xb9: {  	s16 =	sadd.s32 $0x1500, s16;
	s19 =	sadd.s32 $0x70, s21;
	s20 =	rddreg [dreg:$0x6]  }
0xba: {  	[hbm4b:s19+s3] =	stream.linear.scatter [tilespmem:s16], [sflag:$0x1], $0x80, $0x38;
	[tilespmem:$0x6000] =	vst v63  }
0xbb: {  	s17 =	sadd.s32 $0x0, s24;
	s16 =	sadd.s32 s28, s20  }
0xbc: {  	[hbm4b:s16+s3] =	stream.linear.scatter [tilespmem:s17], [sflag:$0x1], $0x80, $0x38;
	[tilespmem:$0x6000] =	vst v63  }
0xbd: {  	s21 =	sadd.s32 $0x300, s17;
	s19 =	sadd.s32 $0x10, s16  }
0xbe: {  	[hbm4b:s19+s3] =	stream.linear.scatter [tilespmem:s21], [sflag:$0x1], $0x80, $0x38;
	[tilespmem:$0x6000] =	vst v63  }
0xbf: {  	s18 =	sadd.s32 $0x1500, s17;
	s22 =	sadd.s32 $0x600, s17;
	s23 =	sadd.s32 $0x20, s16  }
0xc0: {  	[hbm4b:s23+s3] =	stream.linear.scatter [tilespmem:s22], [sflag:$0x1], $0x80, $0x38;
	[tilespmem:$0x6000] =	vst v63  }
0xc1: {  	s20 =	sadd.s32 $0x900, s17;
	s21 =	sadd.s32 $0x30, s16;
	s19 =	simm.s32 $0xC000  }
0xc2: {  	[hbm4b:s21+s3] =	stream.linear.scatter [tilespmem:s20], [sflag:$0x1], $0x80, $0x38;
	[tilespmem:$0x6000] =	vst v63  }
0xc3: {  	s22 =	sadd.s32 $0xC00, s17;
	s23 =	sadd.s32 $0x40, s16;
	s20 =	sadd.s32 $0xF00, s17  }
0xc4: {  	[hbm4b:s23+s3] =	stream.linear.scatter [tilespmem:s22], [sflag:$0x1], $0x80, $0x38;
	[tilespmem:$0x6000] =	vst v63  }
0xc5: {  	s21 =	sadd.s32 $0x50, s16;
	s22 =	sadd.s32 $0x1200, s17;
	s23 =	sadd.s32 $0x60, s16  }
0xc6: {  	[hbm4b:s21+s3] =	stream.linear.scatter [tilespmem:s20], [sflag:$0x1], $0x80, $0x38;
	[tilespmem:$0x6000] =	vst v63  }
0xc7: {  	s17 =	sadd.s32 $0x70, s16;
	s20 =	simm.s32 $0x1800;
	s21 =	sadd.s32 $0x800, s16  }
0xc8: {  	[hbm4b:s23+s3] =	stream.linear.scatter [tilespmem:s22], [sflag:$0x1], $0x80, $0x38;
	[tilespmem:$0x6000] =	vst v63  }
.LBB2_7:
0xc9: {  	[hbm4b:s17+s3] =	stream.linear.scatter [tilespmem:s18], [sflag:$0x1], $0x80, $0x38;
	[tilespmem:$0x6000] =	vst v63  }
0xca: {  	s16 =	smov.u32 s19  }
0xcb: {  	s22 =	sadd.s32 $0x6000, s19;
	s17 =	sadd.s32 s20, s24;
	s20 =	sshra.s32 s16, $0x2  }
0xcc: {  	[hbm4b:s21+s3] =	stream.linear.scatter [tilespmem:s17], [sflag:$0x1], $0x80, $0x38;
	[tilespmem:$0x6000] =	vst v63  }
0xcd: {  	p0 =	sne.s32 s19, $0x12000;
	s18 =	sadd.s32 $0x10, s21;
	s16 =	sadd.s32 $0x300, s17  }
0xce: {  	[hbm4b:s18+s3] =	stream.linear.scatter [tilespmem:s16], [sflag:$0x1], $0x80, $0x38;
	[tilespmem:$0x6000] =	vst v63  }
0xcf: {  	s16 =	sadd.s32 $0x600, s17;
	s18 =	sadd.s32 $0x20, s21  }
0xd0: {  	[hbm4b:s18+s3] =	stream.linear.scatter [tilespmem:s16], [sflag:$0x1], $0x80, $0x38;
	[tilespmem:$0x6000] =	vst v63  }
0xd1: {  	s16 =	sadd.s32 $0x900, s17;
	s18 =	sadd.s32 $0x30, s21  }
0xd2: {  	[hbm4b:s18+s3] =	stream.linear.scatter [tilespmem:s16], [sflag:$0x1], $0x80, $0x38;
	[tilespmem:$0x6000] =	vst v63  }
0xd3: {  	s16 =	sadd.s32 $0xC00, s17;
	s18 =	sadd.s32 $0x40, s21  }
0xd4: {  	[hbm4b:s18+s3] =	stream.linear.scatter [tilespmem:s16], [sflag:$0x1], $0x80, $0x38;
	[tilespmem:$0x6000] =	vst v63  }
.Ltmp2:
0xd5: {  	s16 =	sadd.s32 $0xF00, s17;
	s18 =	sadd.s32 $0x50, s21;
	(pc) =	sbr.rel @p0 .LBB2_7-.Ltmp2, $4  }
0xd6: {  	[hbm4b:s18+s3] =	stream.linear.scatter [tilespmem:s16], [sflag:$0x1], $0x80, $0x38;
	[tilespmem:$0x6000] =	vst v63  }
0xd7: {  	s19 =	smov.u32 s22;
	s16 =	sadd.s32 $0x1200, s17;
	s18 =	sadd.s32 $0x60, s21  }
0xd8: {  	[hbm4b:s18+s3] =	stream.linear.scatter [tilespmem:s16], [sflag:$0x1], $0x80, $0x38;
	[tilespmem:$0x6000] =	vst v63  }
0xd9: {  	s18 =	sadd.s32 $0x1500, s17;
	s17 =	sadd.s32 $0x70, s21;
	s21 =	sadd.s32 $0x800, s21  }
0xda: {  	[hbm4b:s17+s3] =	stream.linear.scatter [tilespmem:s18], [sflag:$0x1], $0x80, $0x38;
	[tilespmem:$0x6000] =	vst v63  }
0xdb: {  	s16 =	sadd.s32 s20, s24  }
0xdc: {  	[hbm4b:s21+s3] =	stream.linear.scatter [tilespmem:s16], [sflag:$0x1], $0x80, $0x38;
	[tilespmem:$0x6000] =	vst v63  }
0xdd: {  	s19 =	sadd.s32 $0x10, s21;
	s18 =	sadd.s32 $0x300, s16  }
0xde: {  	[hbm4b:s19+s3] =	stream.linear.scatter [tilespmem:s18], [sflag:$0x1], $0x80, $0x38;
	[tilespmem:$0x6000] =	vst v63  }
0xdf: {  	s22 =	sadd.s32 $0x20, s21;
	s20 =	sadd.s32 $0x600, s16  }
0xe0: {  	[hbm4b:s22+s3] =	stream.linear.scatter [tilespmem:s20], [sflag:$0x1], $0x80, $0x38;
	[tilespmem:$0x6000] =	vst v63  }
0xe1: {  	s24 =	sadd.s32 $0x30, s21;
	s23 =	sadd.s32 $0x900, s16  }
0xe2: {  	[hbm4b:s24+s3] =	stream.linear.scatter [tilespmem:s23], [sflag:$0x1], $0x80, $0x38;
	[tilespmem:$0x6000] =	vst v63  }
0xe3: {  	s18 =	sadd.s32 $0xC00, s16;
	s19 =	sadd.s32 $0x40, s21  }
0xe4: {  	[hbm4b:s19+s3] =	stream.linear.scatter [tilespmem:s18], [sflag:$0x1], $0x80, $0x38;
	[tilespmem:$0x6000] =	vst v63  }
0xe5: {  	s20 =	sadd.s32 $0xF00, s16;
	s22 =	sadd.s32 $0x50, s21  }
0xe6: {  	[hbm4b:s22+s3] =	stream.linear.scatter [tilespmem:s20], [sflag:$0x1], $0x80, $0x38;
	[tilespmem:$0x6000] =	vst v63  }
0xe7: {  	s23 =	sadd.s32 $0x1200, s16;
	s24 =	sadd.s32 $0x60, s21  }
0xe8: {  	[hbm4b:s24+s3] =	stream.linear.scatter [tilespmem:s23], [sflag:$0x1], $0x80, $0x38;
	[tilespmem:$0x6000] =	vst v63  }
0xe9: {  	s16 =	sadd.s32 $0x1500, s16;
	s18 =	sadd.s32 $0x70, s21;
	s19 =	rddreg [dreg:$0x7]  }
0xea: {  	[hbm4b:s18+s3] =	stream.linear.scatter [tilespmem:s16], [sflag:$0x1], $0x80, $0x38;
	[tilespmem:$0x6000] =	vst v63  }
0xeb: {  	s17 =	sadd.s32 $0x0, s25;
	s16 =	sadd.s32 s28, s19  }
0xec: {  	[hbm4b:s16+s3] =	stream.linear.scatter [tilespmem:s17], [sflag:$0x1], $0x80, $0x38;
	[tilespmem:$0x6000] =	vst v63  }
0xed: {  	s20 =	sadd.s32 $0x300, s17;
	s19 =	sadd.s32 $0x10, s16  }
0xee: {  	[hbm4b:s19+s3] =	stream.linear.scatter [tilespmem:s20], [sflag:$0x1], $0x80, $0x38;
	[tilespmem:$0x6000] =	vst v63  }
0xef: {  	s21 =	sadd.s32 $0x600, s17;
	s23 =	sadd.s32 $0x900, s17;
	s22 =	sadd.s32 $0x20, s16  }
0xf0: {  	[hbm4b:s22+s3] =	stream.linear.scatter [tilespmem:s21], [sflag:$0x1], $0x80, $0x38;
	[tilespmem:$0x6000] =	vst v63  }
0xf1: {  	s18 =	sadd.s32 $0x1500, s17;
	s24 =	sadd.s32 $0x30, s16;
	s19 =	sadd.s32 $0xC00, s17  }
0xf2: {  	[hbm4b:s24+s3] =	stream.linear.scatter [tilespmem:s23], [sflag:$0x1], $0x80, $0x38;
	[tilespmem:$0x6000] =	vst v63  }
0xf3: {  	s20 =	sadd.s32 $0x40, s16;
	s21 =	sadd.s32 $0xF00, s17;
	s22 =	sadd.s32 $0x50, s16  }
0xf4: {  	[hbm4b:s20+s3] =	stream.linear.scatter [tilespmem:s19], [sflag:$0x1], $0x80, $0x38;
	[tilespmem:$0x6000] =	vst v63  }
0xf5: {  	s23 =	sadd.s32 $0x1200, s17;
	s24 =	sadd.s32 $0x60, s16;
	s17 =	sadd.s32 $0x70, s16  }
0xf6: {  	[hbm4b:s22+s3] =	stream.linear.scatter [tilespmem:s21], [sflag:$0x1], $0x80, $0x38;
	[tilespmem:$0x6000] =	vst v63  }
0xf7: {  	s20 =	simm.s32 $0x1800;
	s19 =	simm.s32 $0xC000;
	s21 =	sadd.s32 $0x800, s16  }
0xf8: {  	[hbm4b:s24+s3] =	stream.linear.scatter [tilespmem:s23], [sflag:$0x1], $0x80, $0x38;
	[tilespmem:$0x6000] =	vst v63  }
.LBB2_9:
0xf9: {  	[hbm4b:s17+s3] =	stream.linear.scatter [tilespmem:s18], [sflag:$0x1], $0x80, $0x38;
	[tilespmem:$0x6000] =	vst v63  }
0xfa: {  	s16 =	smov.u32 s19  }
0xfb: {  	s22 =	sadd.s32 $0x6000, s19;
	s17 =	sadd.s32 s20, s25;
	s20 =	sshra.s32 s16, $0x2  }
0xfc: {  	[hbm4b:s21+s3] =	stream.linear.scatter [tilespmem:s17], [sflag:$0x1], $0x80, $0x38;
	[tilespmem:$0x6000] =	vst v63  }
0xfd: {  	p0 =	sne.s32 s19, $0x12000;
	s18 =	sadd.s32 $0x10, s21;
	s16 =	sadd.s32 $0x300, s17  }
0xfe: {  	[hbm4b:s18+s3] =	stream.linear.scatter [tilespmem:s16], [sflag:$0x1], $0x80, $0x38;
	[tilespmem:$0x6000] =	vst v63  }
0xff: {  	s16 =	sadd.s32 $0x600, s17;
	s18 =	sadd.s32 $0x20, s21  }
0x100: {  	[hbm4b:s18+s3] =	stream.linear.scatter [tilespmem:s16], [sflag:$0x1], $0x80, $0x38;
	[tilespmem:$0x6000] =	vst v63  }
0x101: {  	s16 =	sadd.s32 $0x900, s17;
	s18 =	sadd.s32 $0x30, s21  }
0x102: {  	[hbm4b:s18+s3] =	stream.linear.scatter [tilespmem:s16], [sflag:$0x1], $0x80, $0x38;
	[tilespmem:$0x6000] =	vst v63  }
0x103: {  	s16 =	sadd.s32 $0xC00, s17;
	s18 =	sadd.s32 $0x40, s21  }
0x104: {  	[hbm4b:s18+s3] =	stream.linear.scatter [tilespmem:s16], [sflag:$0x1], $0x80, $0x38;
	[tilespmem:$0x6000] =	vst v63  }
.Ltmp3:
0x105: {  	s16 =	sadd.s32 $0xF00, s17;
	s18 =	sadd.s32 $0x50, s21;
	(pc) =	sbr.rel @p0 .LBB2_9-.Ltmp3, $4  }
0x106: {  	[hbm4b:s18+s3] =	stream.linear.scatter [tilespmem:s16], [sflag:$0x1], $0x80, $0x38;
	[tilespmem:$0x6000] =	vst v63  }
0x107: {  	s19 =	smov.u32 s22;
	s16 =	sadd.s32 $0x1200, s17;
	s18 =	sadd.s32 $0x60, s21  }
0x108: {  	[hbm4b:s18+s3] =	stream.linear.scatter [tilespmem:s16], [sflag:$0x1], $0x80, $0x38;
	[tilespmem:$0x6000] =	vst v63  }
0x109: {  	s18 =	sadd.s32 $0x1500, s17;
	s17 =	sadd.s32 $0x70, s21;
	s21 =	sadd.s32 $0x800, s21  }
0x10a: {  	[hbm4b:s17+s3] =	stream.linear.scatter [tilespmem:s18], [sflag:$0x1], $0x80, $0x38;
	[tilespmem:$0x6000] =	vst v63  }
0x10b: {  	s16 =	sadd.s32 s20, s25  }
0x10c: {  	[hbm4b:s21+s3] =	stream.linear.scatter [tilespmem:s16], [sflag:$0x1], $0x80, $0x38;
	[tilespmem:$0x6000] =	vst v63  }
0x10d: {  	s20 =	sadd.s32 $0x10, s21;
	s19 =	sadd.s32 $0x300, s16  }
0x10e: {  	[hbm4b:s20+s3] =	stream.linear.scatter [tilespmem:s19], [sflag:$0x1], $0x80, $0x38;
	[tilespmem:$0x6000] =	vst v63  }
0x10f: {  	s23 =	sadd.s32 $0x20, s21;
	s22 =	sadd.s32 $0x600, s16  }
0x110: {  	[hbm4b:s23+s3] =	stream.linear.scatter [tilespmem:s22], [sflag:$0x1], $0x80, $0x38;
	[tilespmem:$0x6000] =	vst v63  }
0x111: {  	s25 =	sadd.s32 $0x30, s21;
	s24 =	sadd.s32 $0x900, s16  }
0x112: {  	[hbm4b:s25+s3] =	stream.linear.scatter [tilespmem:s24], [sflag:$0x1], $0x80, $0x38;
	[tilespmem:$0x6000] =	vst v63  }
0x113: {  	s19 =	sadd.s32 $0xC00, s16;
	s20 =	sadd.s32 $0x40, s21  }
0x114: {  	[hbm4b:s20+s3] =	stream.linear.scatter [tilespmem:s19], [sflag:$0x1], $0x80, $0x38;
	[tilespmem:$0x6000] =	vst v63  }
0x115: {  	s22 =	sadd.s32 $0xF00, s16;
	s23 =	sadd.s32 $0x50, s21  }
0x116: {  	[hbm4b:s23+s3] =	stream.linear.scatter [tilespmem:s22], [sflag:$0x1], $0x80, $0x38;
	[tilespmem:$0x6000] =	vst v63  }
0x117: {  	s24 =	sadd.s32 $0x1200, s16;
	s25 =	sadd.s32 $0x60, s21  }
0x118: {  	[hbm4b:s25+s3] =	stream.linear.scatter [tilespmem:s24], [sflag:$0x1], $0x80, $0x38;
	[tilespmem:$0x6000] =	vst v63  }
0x119: {  	s16 =	sadd.s32 $0x1500, s16;
	s19 =	sadd.s32 $0x70, s21;
	s20 =	rddreg [dreg:$0x19]  }
0x11a: {  	[hbm4b:s19+s3] =	stream.linear.scatter [tilespmem:s16], [sflag:$0x1], $0x80, $0x38;
	[tilespmem:$0x6000] =	vst v63  }
0x11b: {  	s17 =	sadd.s32 $0x0, s12;
	s16 =	sadd.s32 s28, s20  }
0x11c: {  	[hbm4b:s16+s3] =	stream.linear.scatter [tilespmem:s17], [sflag:$0x1], $0x80, $0x38;
	[tilespmem:$0x6000] =	vst v63  }
0x11d: {  	s21 =	sadd.s32 $0x300, s17;
	s19 =	sadd.s32 $0x10, s16  }
0x11e: {  	[hbm4b:s19+s3] =	stream.linear.scatter [tilespmem:s21], [sflag:$0x1], $0x80, $0x38;
	[tilespmem:$0x6000] =	vst v63  }
0x11f: {  	s18 =	sadd.s32 $0x1500, s17;
	s22 =	sadd.s32 $0x600, s17;
	s23 =	sadd.s32 $0x20, s16  }
0x120: {  	[hbm4b:s23+s3] =	stream.linear.scatter [tilespmem:s22], [sflag:$0x1], $0x80, $0x38;
	[tilespmem:$0x6000] =	vst v63  }
0x121: {  	s24 =	sadd.s32 $0x900, s17;
	s20 =	sadd.s32 $0xC00, s17;
	s25 =	sadd.s32 $0x30, s16  }
0x122: {  	[hbm4b:s25+s3] =	stream.linear.scatter [tilespmem:s24], [sflag:$0x1], $0x80, $0x38;
	[tilespmem:$0x6000] =	vst v63  }
0x123: {  	s21 =	sadd.s32 $0x40, s16;
	s19 =	simm.s32 $0xC000;
	s22 =	sadd.s32 $0xF00, s17  }
0x124: {  	[hbm4b:s21+s3] =	stream.linear.scatter [tilespmem:s20], [sflag:$0x1], $0x80, $0x38;
	[tilespmem:$0x6000] =	vst v63  }
0x125: {  	s23 =	sadd.s32 $0x50, s16;
	s24 =	sadd.s32 $0x1200, s17;
	s25 =	sadd.s32 $0x60, s16  }
0x126: {  	[hbm4b:s23+s3] =	stream.linear.scatter [tilespmem:s22], [sflag:$0x1], $0x80, $0x38;
	[tilespmem:$0x6000] =	vst v63  }
0x127: {  	s17 =	sadd.s32 $0x70, s16;
	s20 =	simm.s32 $0x1800;
	s21 =	sadd.s32 $0x800, s16  }
0x128: {  	[hbm4b:s25+s3] =	stream.linear.scatter [tilespmem:s24], [sflag:$0x1], $0x80, $0x38;
	[tilespmem:$0x6000] =	vst v63  }
.LBB2_11:
0x129: {  	[hbm4b:s17+s3] =	stream.linear.scatter [tilespmem:s18], [sflag:$0x1], $0x80, $0x38;
	[tilespmem:$0x6000] =	vst v63  }
0x12a: {  	s16 =	smov.u32 s19  }
0x12b: {  	s22 =	sadd.s32 $0x6000, s19;
	s17 =	sadd.s32 s20, s12;
	s20 =	sshra.s32 s16, $0x2  }
0x12c: {  	[hbm4b:s21+s3] =	stream.linear.scatter [tilespmem:s17], [sflag:$0x1], $0x80, $0x38;
	[tilespmem:$0x6000] =	vst v63  }
0x12d: {  	p0 =	sne.s32 s19, $0x12000;
	s18 =	sadd.s32 $0x10, s21;
	s16 =	sadd.s32 $0x300, s17  }
0x12e: {  	[hbm4b:s18+s3] =	stream.linear.scatter [tilespmem:s16], [sflag:$0x1], $0x80, $0x38;
	[tilespmem:$0x6000] =	vst v63  }
0x12f: {  	s16 =	sadd.s32 $0x600, s17;
	s18 =	sadd.s32 $0x20, s21  }
0x130: {  	[hbm4b:s18+s3] =	stream.linear.scatter [tilespmem:s16], [sflag:$0x1], $0x80, $0x38;
	[tilespmem:$0x6000] =	vst v63  }
0x131: {  	s16 =	sadd.s32 $0x900, s17;
	s18 =	sadd.s32 $0x30, s21  }
0x132: {  	[hbm4b:s18+s3] =	stream.linear.scatter [tilespmem:s16], [sflag:$0x1], $0x80, $0x38;
	[tilespmem:$0x6000] =	vst v63  }
0x133: {  	s16 =	sadd.s32 $0xC00, s17;
	s18 =	sadd.s32 $0x40, s21  }
0x134: {  	[hbm4b:s18+s3] =	stream.linear.scatter [tilespmem:s16], [sflag:$0x1], $0x80, $0x38;
	[tilespmem:$0x6000] =	vst v63  }
.Ltmp4:
0x135: {  	s16 =	sadd.s32 $0xF00, s17;
	s18 =	sadd.s32 $0x50, s21;
	(pc) =	sbr.rel @p0 .LBB2_11-.Ltmp4, $4  }
0x136: {  	[hbm4b:s18+s3] =	stream.linear.scatter [tilespmem:s16], [sflag:$0x1], $0x80, $0x38;
	[tilespmem:$0x6000] =	vst v63  }
0x137: {  	s19 =	smov.u32 s22;
	s16 =	sadd.s32 $0x1200, s17;
	s18 =	sadd.s32 $0x60, s21  }
0x138: {  	[hbm4b:s18+s3] =	stream.linear.scatter [tilespmem:s16], [sflag:$0x1], $0x80, $0x38;
	[tilespmem:$0x6000] =	vst v63  }
0x139: {  	s18 =	sadd.s32 $0x1500, s17;
	s17 =	sadd.s32 $0x70, s21;
	s21 =	sadd.s32 $0x800, s21  }
0x13a: {  	[hbm4b:s17+s3] =	stream.linear.scatter [tilespmem:s18], [sflag:$0x1], $0x80, $0x38;
	[tilespmem:$0x6000] =	vst v63  }
0x13b: {  	s12 =	sadd.s32 s20, s12  }
0x13c: {  	[hbm4b:s21+s3] =	stream.linear.scatter [tilespmem:s12], [sflag:$0x1], $0x80, $0x38;
	[tilespmem:$0x6000] =	vst v63  }
0x13d: {  	s25 =	sadd.s32 $0x10, s21;
	s16 =	sadd.s32 $0x300, s12  }
0x13e: {  	[hbm4b:s25+s3] =	stream.linear.scatter [tilespmem:s16], [sflag:$0x1], $0x80, $0x38;
	[tilespmem:$0x6000] =	vst v63  }
0x13f: {  	s18 =	sadd.s32 $0x20, s21;
	s17 =	sadd.s32 $0x600, s12  }
0x140: {  	[hbm4b:s18+s3] =	stream.linear.scatter [tilespmem:s17], [sflag:$0x1], $0x80, $0x38;
	[tilespmem:$0x6000] =	vst v63  }
0x141: {  	s20 =	sadd.s32 $0x30, s21;
	s19 =	sadd.s32 $0x900, s12  }
0x142: {  	[hbm4b:s20+s3] =	stream.linear.scatter [tilespmem:s19], [sflag:$0x1], $0x80, $0x38;
	[tilespmem:$0x6000] =	vst v63  }
0x143: {  	s23 =	sadd.s32 $0x40, s21;
	s22 =	sadd.s32 $0xC00, s12  }
0x144: {  	[hbm4b:s23+s3] =	stream.linear.scatter [tilespmem:s22], [sflag:$0x1], $0x80, $0x38;
	[tilespmem:$0x6000] =	vst v63  }
0x145: {  	s24 =	sadd.s32 $0xF00, s12;
	s25 =	sadd.s32 $0x50, s21  }
0x146: {  	[hbm4b:s25+s3] =	stream.linear.scatter [tilespmem:s24], [sflag:$0x1], $0x80, $0x38;
	[tilespmem:$0x6000] =	vst v63  }
0x147: {  	s18 =	sadd.s32 $0x1200, s12;
	s19 =	sadd.s32 $0x60, s21  }
0x148: {  	[hbm4b:s19+s3] =	stream.linear.scatter [tilespmem:s18], [sflag:$0x1], $0x80, $0x38;
	[tilespmem:$0x6000] =	vst v63  }
0x149: {  	s12 =	sadd.s32 $0x1500, s12;
	s20 =	sadd.s32 $0x70, s21;
	s21 =	rddreg [dreg:$0x1a]  }
0x14a: {  	[hbm4b:s20+s3] =	stream.linear.scatter [tilespmem:s12], [sflag:$0x1], $0x80, $0x38;
	[tilespmem:$0x6000] =	vst v63  }
0x14b: {  	s16 =	sadd.s32 $0x0, s11;
	s12 =	sadd.s32 s28, s21  }
0x14c: {  	[hbm4b:s12+s3] =	stream.linear.scatter [tilespmem:s16], [sflag:$0x1], $0x80, $0x38;
	[tilespmem:$0x6000] =	vst v63  }
0x14d: {  	s22 =	sadd.s32 $0x300, s16;
	s23 =	sadd.s32 $0x10, s12  }
0x14e: {  	[hbm4b:s23+s3] =	stream.linear.scatter [tilespmem:s22], [sflag:$0x1], $0x80, $0x38;
	[tilespmem:$0x6000] =	vst v63  }
0x14f: {  	s24 =	sadd.s32 $0x600, s16;
	s18 =	sadd.s32 $0x900, s16;
	s25 =	sadd.s32 $0x20, s12  }
0x150: {  	[hbm4b:s25+s3] =	stream.linear.scatter [tilespmem:s24], [sflag:$0x1], $0x80, $0x38;
	[tilespmem:$0x6000] =	vst v63  }
0x151: {  	s20 =	sadd.s32 $0xC00, s16;
	s19 =	sadd.s32 $0x30, s12;
	s21 =	sadd.s32 $0x40, s12  }
0x152: {  	[hbm4b:s19+s3] =	stream.linear.scatter [tilespmem:s18], [sflag:$0x1], $0x80, $0x38;
	[tilespmem:$0x6000] =	vst v63  }
0x153: {  	s17 =	sadd.s32 $0x70, s12;
	s22 =	sadd.s32 $0xF00, s16;
	s23 =	sadd.s32 $0x50, s12  }
0x154: {  	[hbm4b:s21+s3] =	stream.linear.scatter [tilespmem:s20], [sflag:$0x1], $0x80, $0x38;
	[tilespmem:$0x6000] =	vst v63  }
0x155: {  	s24 =	sadd.s32 $0x1200, s16;
	s25 =	sadd.s32 $0x60, s12;
	s12 =	sadd.s32 $0x800, s12  }
0x156: {  	[hbm4b:s23+s3] =	stream.linear.scatter [tilespmem:s22], [sflag:$0x1], $0x80, $0x38;
	[tilespmem:$0x6000] =	vst v63  }
0x157: {  	s19 =	simm.s32 $0xC000;
	s18 =	sadd.s32 $0x1500, s16;
	s20 =	simm.s32 $0x1800  }
0x158: {  	[hbm4b:s25+s3] =	stream.linear.scatter [tilespmem:s24], [sflag:$0x1], $0x80, $0x38;
	[tilespmem:$0x6000] =	vst v63  }
.LBB2_13:
0x159: {  	[hbm4b:s17+s3] =	stream.linear.scatter [tilespmem:s18], [sflag:$0x1], $0x80, $0x38;
	[tilespmem:$0x6000] =	vst v63  }
0x15a: {  	s16 =	smov.u32 s19  }
0x15b: {  	s21 =	sadd.s32 $0x6000, s19;
	s17 =	sadd.s32 s20, s11;
	s20 =	sshra.s32 s16, $0x2  }
0x15c: {  	[hbm4b:s12+s3] =	stream.linear.scatter [tilespmem:s17], [sflag:$0x1], $0x80, $0x38;
	[tilespmem:$0x6000] =	vst v63  }
0x15d: {  	p0 =	sne.s32 s19, $0x12000;
	s18 =	sadd.s32 $0x10, s12;
	s16 =	sadd.s32 $0x300, s17  }
0x15e: {  	[hbm4b:s18+s3] =	stream.linear.scatter [tilespmem:s16], [sflag:$0x1], $0x80, $0x38;
	[tilespmem:$0x6000] =	vst v63  }
0x15f: {  	s16 =	sadd.s32 $0x600, s17;
	s18 =	sadd.s32 $0x20, s12  }
0x160: {  	[hbm4b:s18+s3] =	stream.linear.scatter [tilespmem:s16], [sflag:$0x1], $0x80, $0x38;
	[tilespmem:$0x6000] =	vst v63  }
0x161: {  	s16 =	sadd.s32 $0x900, s17;
	s18 =	sadd.s32 $0x30, s12  }
0x162: {  	[hbm4b:s18+s3] =	stream.linear.scatter [tilespmem:s16], [sflag:$0x1], $0x80, $0x38;
	[tilespmem:$0x6000] =	vst v63  }
0x163: {  	s16 =	sadd.s32 $0xC00, s17;
	s18 =	sadd.s32 $0x40, s12  }
0x164: {  	[hbm4b:s18+s3] =	stream.linear.scatter [tilespmem:s16], [sflag:$0x1], $0x80, $0x38;
	[tilespmem:$0x6000] =	vst v63  }
.Ltmp5:
0x165: {  	s16 =	sadd.s32 $0xF00, s17;
	s18 =	sadd.s32 $0x50, s12;
	(pc) =	sbr.rel @p0 .LBB2_13-.Ltmp5, $4  }
0x166: {  	[hbm4b:s18+s3] =	stream.linear.scatter [tilespmem:s16], [sflag:$0x1], $0x80, $0x38;
	[tilespmem:$0x6000] =	vst v63  }
0x167: {  	s19 =	smov.u32 s21;
	s16 =	sadd.s32 $0x1200, s17;
	s18 =	sadd.s32 $0x60, s12  }
0x168: {  	[hbm4b:s18+s3] =	stream.linear.scatter [tilespmem:s16], [sflag:$0x1], $0x80, $0x38;
	[tilespmem:$0x6000] =	vst v63  }
0x169: {  	s18 =	sadd.s32 $0x1500, s17;
	s17 =	sadd.s32 $0x70, s12;
	s12 =	sadd.s32 $0x800, s12  }
0x16a: {  	[hbm4b:s17+s3] =	stream.linear.scatter [tilespmem:s18], [sflag:$0x1], $0x80, $0x38;
	[tilespmem:$0x6000] =	vst v63  }
0x16b: {  	s11 =	sadd.s32 s20, s11  }
0x16c: {  	[hbm4b:s12+s3] =	stream.linear.scatter [tilespmem:s11], [sflag:$0x1], $0x80, $0x38;
	[tilespmem:$0x6000] =	vst v63  }
0x16d: {  	s25 =	sadd.s32 $0x10, s12;
	s16 =	sadd.s32 $0x300, s11  }
0x16e: {  	[hbm4b:s25+s3] =	stream.linear.scatter [tilespmem:s16], [sflag:$0x1], $0x80, $0x38;
	[tilespmem:$0x6000] =	vst v63  }
0x16f: {  	s19 =	sadd.s32 $0x20, s12;
	s18 =	sadd.s32 $0x600, s11  }
0x170: {  	[hbm4b:s19+s3] =	stream.linear.scatter [tilespmem:s18], [sflag:$0x1], $0x80, $0x38;
	[tilespmem:$0x6000] =	vst v63  }
0x171: {  	s21 =	sadd.s32 $0x30, s12;
	s20 =	sadd.s32 $0x900, s11  }
0x172: {  	[hbm4b:s21+s3] =	stream.linear.scatter [tilespmem:s20], [sflag:$0x1], $0x80, $0x38;
	[tilespmem:$0x6000] =	vst v63  }
0x173: {  	s23 =	sadd.s32 $0x40, s12;
	s22 =	sadd.s32 $0xC00, s11  }
0x174: {  	[hbm4b:s23+s3] =	stream.linear.scatter [tilespmem:s22], [sflag:$0x1], $0x80, $0x38;
	[tilespmem:$0x6000] =	vst v63  }
0x175: {  	s24 =	sadd.s32 $0xF00, s11;
	s25 =	sadd.s32 $0x50, s12  }
0x176: {  	[hbm4b:s25+s3] =	stream.linear.scatter [tilespmem:s24], [sflag:$0x1], $0x80, $0x38;
	[tilespmem:$0x6000] =	vst v63  }
0x177: {  	s18 =	sadd.s32 $0x1200, s11;
	s19 =	sadd.s32 $0x60, s12  }
0x178: {  	[hbm4b:s19+s3] =	stream.linear.scatter [tilespmem:s18], [sflag:$0x1], $0x80, $0x38;
	[tilespmem:$0x6000] =	vst v63  }
0x179: {  	s11 =	sadd.s32 $0x1500, s11;
	s20 =	sadd.s32 $0x70, s12;
	s21 =	rddreg [dreg:$0x1b]  }
0x17a: {  	[hbm4b:s20+s3] =	stream.linear.scatter [tilespmem:s11], [sflag:$0x1], $0x80, $0x38;
	[tilespmem:$0x6000] =	vst v63  }
0x17b: {  	s16 =	sadd.s32 $0x0, s10;
	s11 =	sadd.s32 s28, s21  }
0x17c: {  	[hbm4b:s11+s3] =	stream.linear.scatter [tilespmem:s16], [sflag:$0x1], $0x80, $0x38;
	[tilespmem:$0x6000] =	vst v63  }
0x17d: {  	s22 =	sadd.s32 $0x300, s16;
	s23 =	sadd.s32 $0x10, s11  }
0x17e: {  	[hbm4b:s23+s3] =	stream.linear.scatter [tilespmem:s22], [sflag:$0x1], $0x80, $0x38;
	[tilespmem:$0x6000] =	vst v63  }
0x17f: {  	s12 =	simm.s32 $0x1800;
	s24 =	sadd.s32 $0x600, s16;
	s25 =	sadd.s32 $0x20, s11  }
0x180: {  	[hbm4b:s25+s3] =	stream.linear.scatter [tilespmem:s24], [sflag:$0x1], $0x80, $0x38;
	[tilespmem:$0x6000] =	vst v63  }
0x181: {  	s18 =	sadd.s32 $0x900, s16;
	s20 =	sadd.s32 $0xC00, s16;
	s19 =	sadd.s32 $0x30, s11  }
0x182: {  	[hbm4b:s19+s3] =	stream.linear.scatter [tilespmem:s18], [sflag:$0x1], $0x80, $0x38;
	[tilespmem:$0x6000] =	vst v63  }
0x183: {  	s21 =	sadd.s32 $0x40, s11;
	s17 =	sadd.s32 $0x70, s11;
	s22 =	sadd.s32 $0xF00, s16  }
0x184: {  	[hbm4b:s21+s3] =	stream.linear.scatter [tilespmem:s20], [sflag:$0x1], $0x80, $0x38;
	[tilespmem:$0x6000] =	vst v63  }
0x185: {  	s23 =	sadd.s32 $0x50, s11;
	s24 =	sadd.s32 $0x1200, s16;
	s25 =	sadd.s32 $0x60, s11  }
0x186: {  	[hbm4b:s23+s3] =	stream.linear.scatter [tilespmem:s22], [sflag:$0x1], $0x80, $0x38;
	[tilespmem:$0x6000] =	vst v63  }
0x187: {  	s11 =	sadd.s32 $0x800, s11;
	s19 =	simm.s32 $0xC000;
	s18 =	sadd.s32 $0x1500, s16  }
0x188: {  	[hbm4b:s25+s3] =	stream.linear.scatter [tilespmem:s24], [sflag:$0x1], $0x80, $0x38;
	[tilespmem:$0x6000] =	vst v63  }
.LBB2_15:
0x189: {  	[hbm4b:s17+s3] =	stream.linear.scatter [tilespmem:s18], [sflag:$0x1], $0x80, $0x38;
	[tilespmem:$0x6000] =	vst v63  }
0x18a: {  	s16 =	smov.u32 s19  }
0x18b: {  	s20 =	sadd.s32 $0x6000, s19;
	s17 =	sadd.s32 s12, s10;
	s12 =	sshra.s32 s16, $0x2  }
0x18c: {  	[hbm4b:s11+s3] =	stream.linear.scatter [tilespmem:s17], [sflag:$0x1], $0x80, $0x38;
	[tilespmem:$0x6000] =	vst v63  }
0x18d: {  	p0 =	sne.s32 s19, $0x12000;
	s18 =	sadd.s32 $0x10, s11;
	s16 =	sadd.s32 $0x300, s17  }
0x18e: {  	[hbm4b:s18+s3] =	stream.linear.scatter [tilespmem:s16], [sflag:$0x1], $0x80, $0x38;
	[tilespmem:$0x6000] =	vst v63  }
0x18f: {  	s16 =	sadd.s32 $0x600, s17;
	s18 =	sadd.s32 $0x20, s11  }
0x190: {  	[hbm4b:s18+s3] =	stream.linear.scatter [tilespmem:s16], [sflag:$0x1], $0x80, $0x38;
	[tilespmem:$0x6000] =	vst v63  }
0x191: {  	s16 =	sadd.s32 $0x900, s17;
	s18 =	sadd.s32 $0x30, s11  }
0x192: {  	[hbm4b:s18+s3] =	stream.linear.scatter [tilespmem:s16], [sflag:$0x1], $0x80, $0x38;
	[tilespmem:$0x6000] =	vst v63  }
0x193: {  	s16 =	sadd.s32 $0xC00, s17;
	s18 =	sadd.s32 $0x40, s11  }
0x194: {  	[hbm4b:s18+s3] =	stream.linear.scatter [tilespmem:s16], [sflag:$0x1], $0x80, $0x38;
	[tilespmem:$0x6000] =	vst v63  }
.Ltmp6:
0x195: {  	s16 =	sadd.s32 $0xF00, s17;
	s18 =	sadd.s32 $0x50, s11;
	(pc) =	sbr.rel @p0 .LBB2_15-.Ltmp6, $4  }
0x196: {  	[hbm4b:s18+s3] =	stream.linear.scatter [tilespmem:s16], [sflag:$0x1], $0x80, $0x38;
	[tilespmem:$0x6000] =	vst v63  }
0x197: {  	s19 =	smov.u32 s20;
	s16 =	sadd.s32 $0x1200, s17;
	s18 =	sadd.s32 $0x60, s11  }
0x198: {  	[hbm4b:s18+s3] =	stream.linear.scatter [tilespmem:s16], [sflag:$0x1], $0x80, $0x38;
	[tilespmem:$0x6000] =	vst v63  }
0x199: {  	s18 =	sadd.s32 $0x1500, s17;
	s17 =	sadd.s32 $0x70, s11;
	s11 =	sadd.s32 $0x800, s11  }
0x19a: {  	[hbm4b:s17+s3] =	stream.linear.scatter [tilespmem:s18], [sflag:$0x1], $0x80, $0x38;
	[tilespmem:$0x6000] =	vst v63  }
0x19b: {  	s10 =	sadd.s32 s12, s10  }
0x19c: {  	[hbm4b:s11+s3] =	stream.linear.scatter [tilespmem:s10], [sflag:$0x1], $0x80, $0x38;
	[tilespmem:$0x6000] =	vst v63  }
0x19d: {  	s16 =	sadd.s32 $0x10, s11;
	s12 =	sadd.s32 $0x300, s10  }
0x19e: {  	[hbm4b:s16+s3] =	stream.linear.scatter [tilespmem:s12], [sflag:$0x1], $0x80, $0x38;
	[tilespmem:$0x6000] =	vst v63  }
0x19f: {  	s23 =	sadd.s32 $0x20, s11;
	s22 =	sadd.s32 $0x600, s10  }
0x1a0: {  	[hbm4b:s23+s3] =	stream.linear.scatter [tilespmem:s22], [sflag:$0x1], $0x80, $0x38;
	[tilespmem:$0x6000] =	vst v63  }
0x1a1: {  	s25 =	sadd.s32 $0x30, s11;
	s24 =	sadd.s32 $0x900, s10  }
0x1a2: {  	[hbm4b:s25+s3] =	stream.linear.scatter [tilespmem:s24], [sflag:$0x1], $0x80, $0x38;
	[tilespmem:$0x6000] =	vst v63  }
0x1a3: {  	s17 =	sadd.s32 $0x40, s11;
	s16 =	sadd.s32 $0xC00, s10  }
0x1a4: {  	[hbm4b:s17+s3] =	stream.linear.scatter [tilespmem:s16], [sflag:$0x1], $0x80, $0x38;
	[tilespmem:$0x6000] =	vst v63  }
0x1a5: {  	s19 =	sadd.s32 $0x50, s11;
	s18 =	sadd.s32 $0xF00, s10  }
0x1a6: {  	[hbm4b:s19+s3] =	stream.linear.scatter [tilespmem:s18], [sflag:$0x1], $0x80, $0x38;
	[tilespmem:$0x6000] =	vst v63  }
0x1a7: {  	s21 =	sadd.s32 $0x60, s11;
	s20 =	sadd.s32 $0x1200, s10  }
0x1a8: {  	[hbm4b:s21+s3] =	stream.linear.scatter [tilespmem:s20], [sflag:$0x1], $0x80, $0x38;
	[tilespmem:$0x6000] =	vst v63  }
0x1a9: {  	s10 =	sadd.s32 $0x1500, s10;
	s22 =	sadd.s32 $0x70, s11;
	s23 =	rddreg [dreg:$0x1c]  }
0x1aa: {  	[hbm4b:s22+s3] =	stream.linear.scatter [tilespmem:s10], [sflag:$0x1], $0x80, $0x38;
	[tilespmem:$0x6000] =	vst v63  }
0x1ab: {  	s16 =	sadd.s32 $0x0, s9;
	s10 =	sadd.s32 s28, s23  }
0x1ac: {  	[hbm4b:s10+s3] =	stream.linear.scatter [tilespmem:s16], [sflag:$0x1], $0x80, $0x38;
	[tilespmem:$0x6000] =	vst v63  }
0x1ad: {  	s24 =	sadd.s32 $0x300, s16;
	s25 =	sadd.s32 $0x10, s10  }
0x1ae: {  	[hbm4b:s25+s3] =	stream.linear.scatter [tilespmem:s24], [sflag:$0x1], $0x80, $0x38;
	[tilespmem:$0x6000] =	vst v63  }
0x1af: {  	s11 =	simm.s32 $0x1800;
	s12 =	sadd.s32 $0x600, s16;
	s17 =	sadd.s32 $0x20, s10  }
0x1b0: {  	[hbm4b:s17+s3] =	stream.linear.scatter [tilespmem:s12], [sflag:$0x1], $0x80, $0x38;
	[tilespmem:$0x6000] =	vst v63  }
0x1b1: {  	s18 =	sadd.s32 $0x900, s16;
	s20 =	sadd.s32 $0xC00, s16;
	s19 =	sadd.s32 $0x30, s10  }
0x1b2: {  	[hbm4b:s19+s3] =	stream.linear.scatter [tilespmem:s18], [sflag:$0x1], $0x80, $0x38;
	[tilespmem:$0x6000] =	vst v63  }
0x1b3: {  	s22 =	sadd.s32 $0xF00, s16;
	s21 =	sadd.s32 $0x40, s10;
	s23 =	sadd.s32 $0x50, s10  }
0x1b4: {  	[hbm4b:s21+s3] =	stream.linear.scatter [tilespmem:s20], [sflag:$0x1], $0x80, $0x38;
	[tilespmem:$0x6000] =	vst v63  }
0x1b5: {  	s24 =	sadd.s32 $0x1200, s16;
	s25 =	sadd.s32 $0x60, s10;
	s12 =	simm.s32 $0xC000  }
0x1b6: {  	[hbm4b:s23+s3] =	stream.linear.scatter [tilespmem:s22], [sflag:$0x1], $0x80, $0x38;
	[tilespmem:$0x6000] =	vst v63  }
0x1b7: {  	s17 =	sadd.s32 $0x70, s10;
	s10 =	sadd.s32 $0x800, s10;
	s18 =	sadd.s32 $0x1500, s16  }
0x1b8: {  	[hbm4b:s25+s3] =	stream.linear.scatter [tilespmem:s24], [sflag:$0x1], $0x80, $0x38;
	[tilespmem:$0x6000] =	vst v63  }
.LBB2_17:
0x1b9: {  	[hbm4b:s17+s3] =	stream.linear.scatter [tilespmem:s18], [sflag:$0x1], $0x80, $0x38;
	[tilespmem:$0x6000] =	vst v63  }
0x1ba: {  	s16 =	smov.u32 s12  }
0x1bb: {  	s19 =	sadd.s32 $0x6000, s12;
	s17 =	sadd.s32 s11, s9;
	s11 =	sshra.s32 s16, $0x2  }
0x1bc: {  	[hbm4b:s10+s3] =	stream.linear.scatter [tilespmem:s17], [sflag:$0x1], $0x80, $0x38;
	[tilespmem:$0x6000] =	vst v63  }
0x1bd: {  	p0 =	sne.s32 s12, $0x12000;
	s12 =	sadd.s32 $0x300, s17;
	s16 =	sadd.s32 $0x10, s10  }
0x1be: {  	[hbm4b:s16+s3] =	stream.linear.scatter [tilespmem:s12], [sflag:$0x1], $0x80, $0x38;
	[tilespmem:$0x6000] =	vst v63  }
0x1bf: {  	s12 =	sadd.s32 $0x600, s17;
	s16 =	sadd.s32 $0x20, s10  }
0x1c0: {  	[hbm4b:s16+s3] =	stream.linear.scatter [tilespmem:s12], [sflag:$0x1], $0x80, $0x38;
	[tilespmem:$0x6000] =	vst v63  }
0x1c1: {  	s12 =	sadd.s32 $0x900, s17;
	s16 =	sadd.s32 $0x30, s10  }
0x1c2: {  	[hbm4b:s16+s3] =	stream.linear.scatter [tilespmem:s12], [sflag:$0x1], $0x80, $0x38;
	[tilespmem:$0x6000] =	vst v63  }
0x1c3: {  	s12 =	sadd.s32 $0xC00, s17;
	s16 =	sadd.s32 $0x40, s10  }
0x1c4: {  	[hbm4b:s16+s3] =	stream.linear.scatter [tilespmem:s12], [sflag:$0x1], $0x80, $0x38;
	[tilespmem:$0x6000] =	vst v63  }
.Ltmp7:
0x1c5: {  	s12 =	sadd.s32 $0xF00, s17;
	s16 =	sadd.s32 $0x50, s10;
	(pc) =	sbr.rel @p0 .LBB2_17-.Ltmp7, $4  }
0x1c6: {  	[hbm4b:s16+s3] =	stream.linear.scatter [tilespmem:s12], [sflag:$0x1], $0x80, $0x38;
	[tilespmem:$0x6000] =	vst v63  }
0x1c7: {  	s18 =	sadd.s32 $0x1500, s17;
	s12 =	sadd.s32 $0x1200, s17;
	s16 =	sadd.s32 $0x60, s10  }
0x1c8: {  	[hbm4b:s16+s3] =	stream.linear.scatter [tilespmem:s12], [sflag:$0x1], $0x80, $0x38;
	[tilespmem:$0x6000] =	vst v63  }
0x1c9: {  	s17 =	sadd.s32 $0x70, s10;
	s10 =	sadd.s32 $0x800, s10;
	s12 =	smov.u32 s19  }
0x1ca: {  	[hbm4b:s17+s3] =	stream.linear.scatter [tilespmem:s18], [sflag:$0x1], $0x80, $0x38;
	[tilespmem:$0x6000] =	vst v63  }
0x1cb: {  	s9 =	sadd.s32 s11, s9  }
0x1cc: {  	[hbm4b:s10+s3] =	stream.linear.scatter [tilespmem:s9], [sflag:$0x1], $0x80, $0x38;
	[tilespmem:$0x6000] =	vst v63  }
0x1cd: {  	s12 =	sadd.s32 $0x10, s10;
	s11 =	sadd.s32 $0x300, s9  }
0x1ce: {  	[hbm4b:s12+s3] =	stream.linear.scatter [tilespmem:s11], [sflag:$0x1], $0x80, $0x38;
	[tilespmem:$0x6000] =	vst v63  }
0x1cf: {  	s23 =	sadd.s32 $0x20, s10;
	s22 =	sadd.s32 $0x600, s9  }
0x1d0: {  	[hbm4b:s23+s3] =	stream.linear.scatter [tilespmem:s22], [sflag:$0x1], $0x80, $0x38;
	[tilespmem:$0x6000] =	vst v63  }
0x1d1: {  	s25 =	sadd.s32 $0x30, s10;
	s24 =	sadd.s32 $0x900, s9  }
0x1d2: {  	[hbm4b:s25+s3] =	stream.linear.scatter [tilespmem:s24], [sflag:$0x1], $0x80, $0x38;
	[tilespmem:$0x6000] =	vst v63  }
0x1d3: {  	s17 =	sadd.s32 $0x40, s10;
	s16 =	sadd.s32 $0xC00, s9  }
0x1d4: {  	[hbm4b:s17+s3] =	stream.linear.scatter [tilespmem:s16], [sflag:$0x1], $0x80, $0x38;
	[tilespmem:$0x6000] =	vst v63  }
0x1d5: {  	s19 =	sadd.s32 $0x50, s10;
	s18 =	sadd.s32 $0xF00, s9  }
0x1d6: {  	[hbm4b:s19+s3] =	stream.linear.scatter [tilespmem:s18], [sflag:$0x1], $0x80, $0x38;
	[tilespmem:$0x6000] =	vst v63  }
0x1d7: {  	s21 =	sadd.s32 $0x60, s10;
	s20 =	sadd.s32 $0x1200, s9  }
0x1d8: {  	[hbm4b:s21+s3] =	stream.linear.scatter [tilespmem:s20], [sflag:$0x1], $0x80, $0x38;
	[tilespmem:$0x6000] =	vst v63  }
0x1d9: {  	s9 =	sadd.s32 $0x1500, s9;
	s22 =	sadd.s32 $0x70, s10;
	s23 =	rddreg [dreg:$0x1d]  }
0x1da: {  	[hbm4b:s22+s3] =	stream.linear.scatter [tilespmem:s9], [sflag:$0x1], $0x80, $0x38;
	[tilespmem:$0x6000] =	vst v63  }
0x1db: {  	s12 =	sadd.s32 $0x0, s4;
	s9 =	sadd.s32 s28, s23  }
0x1dc: {  	[hbm4b:s9+s3] =	stream.linear.scatter [tilespmem:s12], [sflag:$0x1], $0x80, $0x38;
	[tilespmem:$0x6000] =	vst v63  }
0x1dd: {  	s24 =	sadd.s32 $0x300, s12;
	s25 =	sadd.s32 $0x10, s9  }
0x1de: {  	[hbm4b:s25+s3] =	stream.linear.scatter [tilespmem:s24], [sflag:$0x1], $0x80, $0x38;
	[tilespmem:$0x6000] =	vst v63  }
0x1df: {  	s11 =	simm.s32 $0xC000;
	s16 =	sadd.s32 $0x600, s12;
	s17 =	sadd.s32 $0x20, s9  }
0x1e0: {  	[hbm4b:s17+s3] =	stream.linear.scatter [tilespmem:s16], [sflag:$0x1], $0x80, $0x38;
	[tilespmem:$0x6000] =	vst v63  }
0x1e1: {  	s10 =	simm.s32 $0x1800;
	s18 =	sadd.s32 $0x900, s12;
	s19 =	sadd.s32 $0x30, s9  }
0x1e2: {  	[hbm4b:s19+s3] =	stream.linear.scatter [tilespmem:s18], [sflag:$0x1], $0x80, $0x38;
	[tilespmem:$0x6000] =	vst v63  }
0x1e3: {  	s20 =	sadd.s32 $0xC00, s12;
	s22 =	sadd.s32 $0xF00, s12;
	s21 =	sadd.s32 $0x40, s9  }
0x1e4: {  	[hbm4b:s21+s3] =	stream.linear.scatter [tilespmem:s20], [sflag:$0x1], $0x80, $0x38;
	[tilespmem:$0x6000] =	vst v63  }
0x1e5: {  	s23 =	sadd.s32 $0x50, s9;
	s24 =	sadd.s32 $0x1200, s12;
	s25 =	sadd.s32 $0x60, s9  }
0x1e6: {  	[hbm4b:s23+s3] =	stream.linear.scatter [tilespmem:s22], [sflag:$0x1], $0x80, $0x38;
	[tilespmem:$0x6000] =	vst v63  }
0x1e7: {  	s12 =	sadd.s32 $0x1500, s12;
	s17 =	sadd.s32 $0x70, s9;
	s9 =	sadd.s32 $0x800, s9  }
0x1e8: {  	[hbm4b:s25+s3] =	stream.linear.scatter [tilespmem:s24], [sflag:$0x1], $0x80, $0x38;
	[tilespmem:$0x6000] =	vst v63  }
.LBB2_19:
0x1e9: {  	[hbm4b:s17+s3] =	stream.linear.scatter [tilespmem:s12], [sflag:$0x1], $0x80, $0x38;
	[tilespmem:$0x6000] =	vst v63  }
0x1ea: {  	s12 =	smov.u32 s11  }
0x1eb: {  	s16 =	sadd.s32 $0x6000, s11;
	s17 =	sadd.s32 s10, s4;
	s10 =	sshra.s32 s12, $0x2  }
0x1ec: {  	[hbm4b:s9+s3] =	stream.linear.scatter [tilespmem:s17], [sflag:$0x1], $0x80, $0x38;
	[tilespmem:$0x6000] =	vst v63  }
0x1ed: {  	p0 =	sne.s32 s11, $0x12000;
	s11 =	sadd.s32 $0x300, s17;
	s12 =	sadd.s32 $0x10, s9  }
0x1ee: {  	[hbm4b:s12+s3] =	stream.linear.scatter [tilespmem:s11], [sflag:$0x1], $0x80, $0x38;
	[tilespmem:$0x6000] =	vst v63  }
0x1ef: {  	s11 =	sadd.s32 $0x600, s17;
	s12 =	sadd.s32 $0x20, s9  }
0x1f0: {  	[hbm4b:s12+s3] =	stream.linear.scatter [tilespmem:s11], [sflag:$0x1], $0x80, $0x38;
	[tilespmem:$0x6000] =	vst v63  }
0x1f1: {  	s11 =	sadd.s32 $0x900, s17;
	s12 =	sadd.s32 $0x30, s9  }
0x1f2: {  	[hbm4b:s12+s3] =	stream.linear.scatter [tilespmem:s11], [sflag:$0x1], $0x80, $0x38;
	[tilespmem:$0x6000] =	vst v63  }
0x1f3: {  	s11 =	sadd.s32 $0xC00, s17;
	s12 =	sadd.s32 $0x40, s9  }
0x1f4: {  	[hbm4b:s12+s3] =	stream.linear.scatter [tilespmem:s11], [sflag:$0x1], $0x80, $0x38;
	[tilespmem:$0x6000] =	vst v63  }
0x1f5: {  	s11 =	sadd.s32 $0xF00, s17;
	s12 =	sadd.s32 $0x50, s9  }
0x1f6: {  	[hbm4b:s12+s3] =	stream.linear.scatter [tilespmem:s11], [sflag:$0x1], $0x80, $0x38;
	[tilespmem:$0x6000] =	vst v63  }
.Ltmp8:
0x1f7: {  	_ = 	snop;
	(pc) =	sbr.rel @p0 .LBB2_19-.Ltmp8, $4  }
0x1f8: {  	s11 =	sadd.s32 $0x1200, s17;
	s12 =	sadd.s32 $0x60, s9  }
0x1f9: {  	[hbm4b:s12+s3] =	stream.linear.scatter [tilespmem:s11], [sflag:$0x1], $0x80, $0x38;
	[tilespmem:$0x6000] =	vst v63  }
0x1fa: {  	s12 =	sadd.s32 $0x1500, s17  }
0x1fb: {  	s17 =	sadd.s32 $0x70, s9;
	s9 =	sadd.s32 $0x800, s9;
	s11 =	smov.u32 s16  }
0x1fc: {  	[hbm4b:s17+s3] =	stream.linear.scatter [tilespmem:s12], [sflag:$0x1], $0x80, $0x38;
	[tilespmem:$0x6000] =	vst v63  }
0x1fd: {  	s4 =	sadd.s32 s10, s4  }
0x1fe: {  	[hbm4b:s9+s3] =	stream.linear.scatter [tilespmem:s4], [sflag:$0x1], $0x80, $0x38;
	[tilespmem:$0x6000] =	vst v63  }
0x1ff: {  	s11 =	sadd.s32 $0x10, s9;
	s10 =	sadd.s32 $0x300, s4  }
0x200: {  	[hbm4b:s11+s3] =	stream.linear.scatter [tilespmem:s10], [sflag:$0x1], $0x80, $0x38;
	[tilespmem:$0x6000] =	vst v63  }
0x201: {  	s16 =	sadd.s32 $0x20, s9;
	s12 =	sadd.s32 $0x600, s4  }
0x202: {  	[hbm4b:s16+s3] =	stream.linear.scatter [tilespmem:s12], [sflag:$0x1], $0x80, $0x38;
	[tilespmem:$0x6000] =	vst v63  }
0x203: {  	s18 =	sadd.s32 $0x30, s9;
	s17 =	sadd.s32 $0x900, s4  }
0x204: {  	[hbm4b:s18+s3] =	stream.linear.scatter [tilespmem:s17], [sflag:$0x1], $0x80, $0x38;
	[tilespmem:$0x6000] =	vst v63  }
0x205: {  	s20 =	sadd.s32 $0x40, s9;
	s19 =	sadd.s32 $0xC00, s4  }
0x206: {  	[hbm4b:s20+s3] =	stream.linear.scatter [tilespmem:s19], [sflag:$0x1], $0x80, $0x38;
	[tilespmem:$0x6000] =	vst v63  }
0x207: {  	s22 =	sadd.s32 $0x50, s9;
	s21 =	sadd.s32 $0xF00, s4  }
0x208: {  	[hbm4b:s22+s3] =	stream.linear.scatter [tilespmem:s21], [sflag:$0x1], $0x80, $0x38;
	[tilespmem:$0x6000] =	vst v63  }
0x209: {  	s24 =	sadd.s32 $0x60, s9;
	s23 =	sadd.s32 $0x1200, s4  }
0x20a: {  	[hbm4b:s24+s3] =	stream.linear.scatter [tilespmem:s23], [sflag:$0x1], $0x80, $0x38;
	[tilespmem:$0x6000] =	vst v63  }
0x20b: {  	s25 =	sadd.s32 $0x70, s9;
	s4 =	sadd.s32 $0x1500, s4;
	s9 =	rddreg [dreg:$0x1e]  }
0x20c: {  	[hbm4b:s25+s3] =	stream.linear.scatter [tilespmem:s4], [sflag:$0x1], $0x80, $0x38;
	[tilespmem:$0x6000] =	vst v63  }
0x20d: {  	s11 =	sadd.s32 $0x0, s0;
	s4 =	sadd.s32 s28, s9  }
0x20e: {  	[hbm4b:s4+s3] =	stream.linear.scatter [tilespmem:s11], [sflag:$0x1], $0x80, $0x38;
	[tilespmem:$0x6000] =	vst v63  }
0x20f: {  	s10 =	sadd.s32 $0x300, s11;
	s16 =	sadd.s32 $0x600, s11;
	s12 =	sadd.s32 $0x10, s4  }
0x210: {  	[hbm4b:s12+s3] =	stream.linear.scatter [tilespmem:s10], [sflag:$0x1], $0x80, $0x38;
	[tilespmem:$0x6000] =	vst v63  }
0x211: {  	s18 =	sadd.s32 $0x900, s11;
	s20 =	sadd.s32 $0xC00, s11;
	s17 =	sadd.s32 $0x20, s4  }
0x212: {  	[hbm4b:s17+s3] =	stream.linear.scatter [tilespmem:s16], [sflag:$0x1], $0x80, $0x38;
	[tilespmem:$0x6000] =	vst v63  }
0x213: {  	s22 =	sadd.s32 $0xF00, s11;
	s24 =	sadd.s32 $0x1200, s11;
	s19 =	sadd.s32 $0x30, s4  }
0x214: {  	[hbm4b:s19+s3] =	stream.linear.scatter [tilespmem:s18], [sflag:$0x1], $0x80, $0x38;
	[tilespmem:$0x6000] =	vst v63  }
0x215: {  	s9 =	simm.s32 $0x1800;
	s21 =	sadd.s32 $0x40, s4;
	s23 =	sadd.s32 $0x50, s4  }
0x216: {  	[hbm4b:s21+s3] =	stream.linear.scatter [tilespmem:s20], [sflag:$0x1], $0x80, $0x38;
	[tilespmem:$0x6000] =	vst v63  }
0x217: {  	s25 =	sadd.s32 $0x60, s4;
	s11 =	sadd.s32 $0x1500, s11;
	s10 =	simm.s32 $0xC000  }
0x218: {  	[hbm4b:s23+s3] =	stream.linear.scatter [tilespmem:s22], [sflag:$0x1], $0x80, $0x38;
	[tilespmem:$0x6000] =	vst v63  }
0x219: {  	s12 =	sadd.s32 $0x70, s4;
	s4 =	sadd.s32 $0x800, s4;
	s18 =	sld [smem:$0x7F7]  }
0x21a: {  	[hbm4b:s25+s3] =	stream.linear.scatter [tilespmem:s24], [sflag:$0x1], $0x80, $0x38;
	[tilespmem:$0x6000] =	vst v63  }
.LBB2_21:
0x21b: {  	[hbm4b:s12+s3] =	stream.linear.scatter [tilespmem:s11], [sflag:$0x1], $0x80, $0x38;
	[tilespmem:$0x6000] =	vst v63  }
0x21c: {  	s11 =	smov.u32 s10  }
0x21d: {  	s16 =	sadd.s32 $0x6000, s10;
	s12 =	sadd.s32 s9, s0;
	s9 =	sshra.s32 s11, $0x2  }
0x21e: {  	[hbm4b:s4+s3] =	stream.linear.scatter [tilespmem:s12], [sflag:$0x1], $0x80, $0x38;
	[tilespmem:$0x6000] =	vst v63  }
0x21f: {  	p0 =	sne.s32 s10, $0x12000;
	s10 =	sadd.s32 $0x300, s12;
	s11 =	sadd.s32 $0x10, s4  }
0x220: {  	[hbm4b:s11+s3] =	stream.linear.scatter [tilespmem:s10], [sflag:$0x1], $0x80, $0x38;
	[tilespmem:$0x6000] =	vst v63  }
0x221: {  	s10 =	sadd.s32 $0x600, s12;
	s11 =	sadd.s32 $0x20, s4  }
0x222: {  	[hbm4b:s11+s3] =	stream.linear.scatter [tilespmem:s10], [sflag:$0x1], $0x80, $0x38;
	[tilespmem:$0x6000] =	vst v63  }
0x223: {  	s10 =	sadd.s32 $0x900, s12;
	s11 =	sadd.s32 $0x30, s4  }
0x224: {  	[hbm4b:s11+s3] =	stream.linear.scatter [tilespmem:s10], [sflag:$0x1], $0x80, $0x38;
	[tilespmem:$0x6000] =	vst v63  }
0x225: {  	s10 =	sadd.s32 $0xC00, s12;
	s11 =	sadd.s32 $0x40, s4  }
0x226: {  	[hbm4b:s11+s3] =	stream.linear.scatter [tilespmem:s10], [sflag:$0x1], $0x80, $0x38;
	[tilespmem:$0x6000] =	vst v63  }
0x227: {  	s10 =	sadd.s32 $0xF00, s12;
	s11 =	sadd.s32 $0x50, s4  }
0x228: {  	[hbm4b:s11+s3] =	stream.linear.scatter [tilespmem:s10], [sflag:$0x1], $0x80, $0x38;
	[tilespmem:$0x6000] =	vst v63  }
.Ltmp9:
0x229: {  	_ = 	snop;
	(pc) =	sbr.rel @p0 .LBB2_21-.Ltmp9, $4  }
0x22a: {  	s10 =	sadd.s32 $0x1200, s12;
	s11 =	sadd.s32 $0x60, s4  }
0x22b: {  	[hbm4b:s11+s3] =	stream.linear.scatter [tilespmem:s10], [sflag:$0x1], $0x80, $0x38;
	[tilespmem:$0x6000] =	vst v63  }
0x22c: {  	s11 =	sadd.s32 $0x1500, s12  }
0x22d: {  	s12 =	sadd.s32 $0x70, s4;
	s4 =	sadd.s32 $0x800, s4;
	s10 =	smov.u32 s16  }
0x22e: {  	[hbm4b:s12+s3] =	stream.linear.scatter [tilespmem:s11], [sflag:$0x1], $0x80, $0x38;
	[tilespmem:$0x6000] =	vst v63  }
0x22f: {  	s0 =	sadd.s32 s9, s0  }
0x230: {  	[hbm4b:s4+s3] =	stream.linear.scatter [tilespmem:s0], [sflag:$0x1], $0x80, $0x38;
	[tilespmem:$0x6000] =	vst v63  }
0x231: {  	s10 =	sadd.s32 $0x10, s4;
	s9 =	sadd.s32 $0x300, s0  }
0x232: {  	[hbm4b:s10+s3] =	stream.linear.scatter [tilespmem:s9], [sflag:$0x1], $0x80, $0x38;
	[tilespmem:$0x6000] =	vst v63  }
0x233: {  	s12 =	sadd.s32 $0x20, s4;
	s11 =	sadd.s32 $0x600, s0  }
0x234: {  	[hbm4b:s12+s3] =	stream.linear.scatter [tilespmem:s11], [sflag:$0x1], $0x80, $0x38;
	[tilespmem:$0x6000] =	vst v63  }
0x235: {  	s17 =	sadd.s32 $0x30, s4;
	s16 =	sadd.s32 $0x900, s0  }
0x236: {  	[hbm4b:s17+s3] =	stream.linear.scatter [tilespmem:s16], [sflag:$0x1], $0x80, $0x38;
	[tilespmem:$0x6000] =	vst v63  }
0x237: {  	s20 =	sadd.s32 $0x40, s4;
	s19 =	sadd.s32 $0xC00, s0  }
0x238: {  	[hbm4b:s20+s3] =	stream.linear.scatter [tilespmem:s19], [sflag:$0x1], $0x80, $0x38;
	[tilespmem:$0x6000] =	vst v63  }
0x239: {  	s22 =	sadd.s32 $0x50, s4;
	s21 =	sadd.s32 $0xF00, s0  }
0x23a: {  	[hbm4b:s22+s3] =	stream.linear.scatter [tilespmem:s21], [sflag:$0x1], $0x80, $0x38;
	[tilespmem:$0x6000] =	vst v63  }
0x23b: {  	s24 =	sadd.s32 $0x60, s4;
	s23 =	sadd.s32 $0x1200, s0  }
0x23c: {  	[hbm4b:s24+s3] =	stream.linear.scatter [tilespmem:s23], [sflag:$0x1], $0x80, $0x38;
	[tilespmem:$0x6000] =	vst v63  }
0x23d: {  	s25 =	sadd.s32 $0x70, s4;
	s0 =	sadd.s32 $0x1500, s0;
	s4 =	rddreg [dreg:$0x1f]  }
0x23e: {  	[hbm4b:s25+s3] =	stream.linear.scatter [tilespmem:s0], [sflag:$0x1], $0x80, $0x38;
	[tilespmem:$0x6000] =	vst v63  }
0x23f: {  	s10 =	sadd.s32 $0x0, s1;
	s0 =	sadd.s32 s28, s4  }
0x240: {  	[hbm4b:s0+s3] =	stream.linear.scatter [tilespmem:s10], [sflag:$0x1], $0x80, $0x38;
	[tilespmem:$0x6000] =	vst v63  }
0x241: {  	s9 =	sadd.s32 $0x300, s10;
	s12 =	sadd.s32 $0x600, s10;
	s11 =	sadd.s32 $0x10, s0  }
0x242: {  	[hbm4b:s11+s3] =	stream.linear.scatter [tilespmem:s9], [sflag:$0x1], $0x80, $0x38;
	[tilespmem:$0x6000] =	vst v63  }
0x243: {  	s17 =	sadd.s32 $0x900, s10;
	s20 =	sadd.s32 $0xC00, s10;
	s16 =	sadd.s32 $0x20, s0  }
0x244: {  	[hbm4b:s16+s3] =	stream.linear.scatter [tilespmem:s12], [sflag:$0x1], $0x80, $0x38;
	[tilespmem:$0x6000] =	vst v63  }
0x245: {  	s22 =	sadd.s32 $0xF00, s10;
	s24 =	sadd.s32 $0x1200, s10;
	s19 =	sadd.s32 $0x30, s0  }
0x246: {  	[hbm4b:s19+s3] =	stream.linear.scatter [tilespmem:s17], [sflag:$0x1], $0x80, $0x38;
	[tilespmem:$0x6000] =	vst v63  }
0x247: {  	s4 =	simm.s32 $0x1800;
	s21 =	sadd.s32 $0x40, s0;
	s23 =	sadd.s32 $0x50, s0  }
0x248: {  	[hbm4b:s21+s3] =	stream.linear.scatter [tilespmem:s20], [sflag:$0x1], $0x80, $0x38;
	[tilespmem:$0x6000] =	vst v63  }
0x249: {  	s25 =	sadd.s32 $0x60, s0;
	s10 =	sadd.s32 $0x1500, s10;
	s9 =	simm.s32 $0xC000  }
0x24a: {  	[hbm4b:s23+s3] =	stream.linear.scatter [tilespmem:s22], [sflag:$0x1], $0x80, $0x38;
	[tilespmem:$0x6000] =	vst v63  }
0x24b: {  	s11 =	sadd.s32 $0x70, s0;
	s0 =	sadd.s32 $0x800, s0;
	s17 =	sld [smem:$0x7F6]  }
0x24c: {  	[hbm4b:s25+s3] =	stream.linear.scatter [tilespmem:s24], [sflag:$0x1], $0x80, $0x38;
	[tilespmem:$0x6000] =	vst v63  }
.LBB2_23:
0x24d: {  	[hbm4b:s11+s3] =	stream.linear.scatter [tilespmem:s10], [sflag:$0x1], $0x80, $0x38;
	[tilespmem:$0x6000] =	vst v63  }
0x24e: {  	s10 =	smov.u32 s9  }
0x24f: {  	s12 =	sadd.s32 $0x6000, s9;
	s11 =	sadd.s32 s4, s1;
	s4 =	sshra.s32 s10, $0x2  }
0x250: {  	[hbm4b:s0+s3] =	stream.linear.scatter [tilespmem:s11], [sflag:$0x1], $0x80, $0x38;
	[tilespmem:$0x6000] =	vst v63  }
0x251: {  	p0 =	sne.s32 s9, $0x12000;
	s9 =	sadd.s32 $0x300, s11;
	s10 =	sadd.s32 $0x10, s0  }
0x252: {  	[hbm4b:s10+s3] =	stream.linear.scatter [tilespmem:s9], [sflag:$0x1], $0x80, $0x38;
	[tilespmem:$0x6000] =	vst v63  }
0x253: {  	s9 =	sadd.s32 $0x600, s11;
	s10 =	sadd.s32 $0x20, s0  }
0x254: {  	[hbm4b:s10+s3] =	stream.linear.scatter [tilespmem:s9], [sflag:$0x1], $0x80, $0x38;
	[tilespmem:$0x6000] =	vst v63  }
0x255: {  	s9 =	sadd.s32 $0x900, s11;
	s10 =	sadd.s32 $0x30, s0  }
0x256: {  	[hbm4b:s10+s3] =	stream.linear.scatter [tilespmem:s9], [sflag:$0x1], $0x80, $0x38;
	[tilespmem:$0x6000] =	vst v63  }
0x257: {  	s9 =	sadd.s32 $0xC00, s11;
	s10 =	sadd.s32 $0x40, s0  }
0x258: {  	[hbm4b:s10+s3] =	stream.linear.scatter [tilespmem:s9], [sflag:$0x1], $0x80, $0x38;
	[tilespmem:$0x6000] =	vst v63  }
0x259: {  	s9 =	sadd.s32 $0xF00, s11;
	s10 =	sadd.s32 $0x50, s0  }
0x25a: {  	[hbm4b:s10+s3] =	stream.linear.scatter [tilespmem:s9], [sflag:$0x1], $0x80, $0x38;
	[tilespmem:$0x6000] =	vst v63  }
.Ltmp10:
0x25b: {  	_ = 	snop;
	(pc) =	sbr.rel @p0 .LBB2_23-.Ltmp10, $4  }
0x25c: {  	s9 =	sadd.s32 $0x1200, s11;
	s10 =	sadd.s32 $0x60, s0  }
0x25d: {  	[hbm4b:s10+s3] =	stream.linear.scatter [tilespmem:s9], [sflag:$0x1], $0x80, $0x38;
	[tilespmem:$0x6000] =	vst v63  }
0x25e: {  	s10 =	sadd.s32 $0x1500, s11  }
0x25f: {  	s11 =	sadd.s32 $0x70, s0;
	s0 =	sadd.s32 $0x800, s0;
	s9 =	smov.u32 s12  }
0x260: {  	[hbm4b:s11+s3] =	stream.linear.scatter [tilespmem:s10], [sflag:$0x1], $0x80, $0x38;
	[tilespmem:$0x6000] =	vst v63  }
0x261: {  	s1 =	sadd.s32 s4, s1  }
0x262: {  	[hbm4b:s0+s3] =	stream.linear.scatter [tilespmem:s1], [sflag:$0x1], $0x80, $0x38;
	[tilespmem:$0x6000] =	vst v63  }
0x263: {  	s9 =	sadd.s32 $0x10, s0;
	s4 =	sadd.s32 $0x300, s1  }
0x264: {  	[hbm4b:s9+s3] =	stream.linear.scatter [tilespmem:s4], [sflag:$0x1], $0x80, $0x38;
	[tilespmem:$0x6000] =	vst v63  }
0x265: {  	s11 =	sadd.s32 $0x20, s0;
	s10 =	sadd.s32 $0x600, s1  }
0x266: {  	[hbm4b:s11+s3] =	stream.linear.scatter [tilespmem:s10], [sflag:$0x1], $0x80, $0x38;
	[tilespmem:$0x6000] =	vst v63  }
0x267: {  	s16 =	sadd.s32 $0x30, s0;
	s12 =	sadd.s32 $0x900, s1  }
0x268: {  	[hbm4b:s16+s3] =	stream.linear.scatter [tilespmem:s12], [sflag:$0x1], $0x80, $0x38;
	[tilespmem:$0x6000] =	vst v63  }
0x269: {  	s20 =	sadd.s32 $0x40, s0;
	s19 =	sadd.s32 $0xC00, s1  }
0x26a: {  	[hbm4b:s20+s3] =	stream.linear.scatter [tilespmem:s19], [sflag:$0x1], $0x80, $0x38;
	[tilespmem:$0x6000] =	vst v63  }
0x26b: {  	s22 =	sadd.s32 $0x50, s0;
	s21 =	sadd.s32 $0xF00, s1  }
0x26c: {  	[hbm4b:s22+s3] =	stream.linear.scatter [tilespmem:s21], [sflag:$0x1], $0x80, $0x38;
	[tilespmem:$0x6000] =	vst v63  }
0x26d: {  	s24 =	sadd.s32 $0x60, s0;
	s23 =	sadd.s32 $0x1200, s1  }
0x26e: {  	[hbm4b:s24+s3] =	stream.linear.scatter [tilespmem:s23], [sflag:$0x1], $0x80, $0x38;
	[tilespmem:$0x6000] =	vst v63  }
0x26f: {  	s25 =	sadd.s32 $0x70, s0;
	s1 =	sadd.s32 $0x1500, s1  }
0x270: {  	[hbm4b:s25+s3] =	stream.linear.scatter [tilespmem:s1], [sflag:$0x1], $0x80, $0x38;
	[tilespmem:$0x6000] =	vst v63  }
0x271: {  	s1 =	sld [smem:$0x7F9];
	_ =	sdelay $0x2  }
0x272: {  	s9 =	sadd.s32 $0x0, s31;
	s0 =	sadd.s32 s28, s1  }
0x273: {  	[hbm4b:s0+s3] =	stream.linear.scatter [tilespmem:s9], [sflag:$0x1], $0x80, $0x38;
	[tilespmem:$0x6000] =	vst v63  }
0x274: {  	s4 =	sadd.s32 $0x300, s9;
	s11 =	sadd.s32 $0x600, s9;
	s10 =	sadd.s32 $0x10, s0  }
0x275: {  	[hbm4b:s10+s3] =	stream.linear.scatter [tilespmem:s4], [sflag:$0x1], $0x80, $0x38;
	[tilespmem:$0x6000] =	vst v63  }
0x276: {  	s16 =	sadd.s32 $0x900, s9;
	s20 =	sadd.s32 $0xC00, s9;
	s12 =	sadd.s32 $0x20, s0  }
0x277: {  	[hbm4b:s12+s3] =	stream.linear.scatter [tilespmem:s11], [sflag:$0x1], $0x80, $0x38;
	[tilespmem:$0x6000] =	vst v63  }
0x278: {  	s22 =	sadd.s32 $0xF00, s9;
	s24 =	sadd.s32 $0x1200, s9;
	s19 =	sadd.s32 $0x30, s0  }
0x279: {  	[hbm4b:s19+s3] =	stream.linear.scatter [tilespmem:s16], [sflag:$0x1], $0x80, $0x38;
	[tilespmem:$0x6000] =	vst v63  }
0x27a: {  	s1 =	simm.s32 $0x1800;
	s21 =	sadd.s32 $0x40, s0;
	s23 =	sadd.s32 $0x50, s0  }
0x27b: {  	[hbm4b:s21+s3] =	stream.linear.scatter [tilespmem:s20], [sflag:$0x1], $0x80, $0x38;
	[tilespmem:$0x6000] =	vst v63  }
0x27c: {  	s25 =	sadd.s32 $0x60, s0;
	s9 =	sadd.s32 $0x1500, s9;
	s4 =	simm.s32 $0xC000  }
0x27d: {  	[hbm4b:s23+s3] =	stream.linear.scatter [tilespmem:s22], [sflag:$0x1], $0x80, $0x38;
	[tilespmem:$0x6000] =	vst v63  }
0x27e: {  	s10 =	sadd.s32 $0x70, s0;
	s0 =	sadd.s32 $0x800, s0;
	s16 =	sld [smem:$0x7F5]  }
0x27f: {  	[hbm4b:s25+s3] =	stream.linear.scatter [tilespmem:s24], [sflag:$0x1], $0x80, $0x38;
	[tilespmem:$0x6000] =	vst v63  }
.LBB2_25:
0x280: {  	[hbm4b:s10+s3] =	stream.linear.scatter [tilespmem:s9], [sflag:$0x1], $0x80, $0x38;
	[tilespmem:$0x6000] =	vst v63  }
0x281: {  	s9 =	smov.u32 s4  }
0x282: {  	s11 =	sadd.s32 $0x6000, s4;
	s10 =	sadd.s32 s1, s31;
	s1 =	sshra.s32 s9, $0x2  }
0x283: {  	[hbm4b:s0+s3] =	stream.linear.scatter [tilespmem:s10], [sflag:$0x1], $0x80, $0x38;
	[tilespmem:$0x6000] =	vst v63  }
0x284: {  	p0 =	sne.s32 s4, $0x12000;
	s4 =	sadd.s32 $0x300, s10;
	s9 =	sadd.s32 $0x10, s0  }
0x285: {  	[hbm4b:s9+s3] =	stream.linear.scatter [tilespmem:s4], [sflag:$0x1], $0x80, $0x38;
	[tilespmem:$0x6000] =	vst v63  }
0x286: {  	s4 =	sadd.s32 $0x600, s10;
	s9 =	sadd.s32 $0x20, s0  }
0x287: {  	[hbm4b:s9+s3] =	stream.linear.scatter [tilespmem:s4], [sflag:$0x1], $0x80, $0x38;
	[tilespmem:$0x6000] =	vst v63  }
0x288: {  	s4 =	sadd.s32 $0x900, s10;
	s9 =	sadd.s32 $0x30, s0  }
0x289: {  	[hbm4b:s9+s3] =	stream.linear.scatter [tilespmem:s4], [sflag:$0x1], $0x80, $0x38;
	[tilespmem:$0x6000] =	vst v63  }
0x28a: {  	s4 =	sadd.s32 $0xC00, s10;
	s9 =	sadd.s32 $0x40, s0  }
0x28b: {  	[hbm4b:s9+s3] =	stream.linear.scatter [tilespmem:s4], [sflag:$0x1], $0x80, $0x38;
	[tilespmem:$0x6000] =	vst v63  }
0x28c: {  	s4 =	sadd.s32 $0xF00, s10;
	s9 =	sadd.s32 $0x50, s0  }
0x28d: {  	[hbm4b:s9+s3] =	stream.linear.scatter [tilespmem:s4], [sflag:$0x1], $0x80, $0x38;
	[tilespmem:$0x6000] =	vst v63  }
.Ltmp11:
0x28e: {  	_ = 	snop;
	(pc) =	sbr.rel @p0 .LBB2_25-.Ltmp11, $4  }
0x28f: {  	s4 =	sadd.s32 $0x1200, s10;
	s9 =	sadd.s32 $0x60, s0  }
0x290: {  	[hbm4b:s9+s3] =	stream.linear.scatter [tilespmem:s4], [sflag:$0x1], $0x80, $0x38;
	[tilespmem:$0x6000] =	vst v63  }
0x291: {  	s9 =	sadd.s32 $0x1500, s10  }
0x292: {  	s10 =	sadd.s32 $0x70, s0;
	s0 =	sadd.s32 $0x800, s0;
	s4 =	smov.u32 s11  }
0x293: {  	[hbm4b:s10+s3] =	stream.linear.scatter [tilespmem:s9], [sflag:$0x1], $0x80, $0x38;
	[tilespmem:$0x6000] =	vst v63  }
0x294: {  	s1 =	sadd.s32 s1, s31  }
0x295: {  	[hbm4b:s0+s3] =	stream.linear.scatter [tilespmem:s1], [sflag:$0x1], $0x80, $0x38;
	[tilespmem:$0x6000] =	vst v63  }
0x296: {  	s31 =	sadd.s32 $0x10, s0;
	s4 =	sadd.s32 $0x300, s1  }
0x297: {  	[hbm4b:s31+s3] =	stream.linear.scatter [tilespmem:s4], [sflag:$0x1], $0x80, $0x38;
	[tilespmem:$0x6000] =	vst v63  }
0x298: {  	s11 =	sadd.s32 $0x20, s0;
	s10 =	sadd.s32 $0x600, s1  }
0x299: {  	[hbm4b:s11+s3] =	stream.linear.scatter [tilespmem:s10], [sflag:$0x1], $0x80, $0x38;
	[tilespmem:$0x6000] =	vst v63  }
0x29a: {  	s19 =	sadd.s32 $0x30, s0;
	s12 =	sadd.s32 $0x900, s1  }
0x29b: {  	[hbm4b:s19+s3] =	stream.linear.scatter [tilespmem:s12], [sflag:$0x1], $0x80, $0x38;
	[tilespmem:$0x6000] =	vst v63  }
0x29c: {  	s21 =	sadd.s32 $0x40, s0;
	s20 =	sadd.s32 $0xC00, s1  }
0x29d: {  	[hbm4b:s21+s3] =	stream.linear.scatter [tilespmem:s20], [sflag:$0x1], $0x80, $0x38;
	[tilespmem:$0x6000] =	vst v63  }
0x29e: {  	s23 =	sadd.s32 $0x50, s0;
	s22 =	sadd.s32 $0xF00, s1  }
0x29f: {  	[hbm4b:s23+s3] =	stream.linear.scatter [tilespmem:s22], [sflag:$0x1], $0x80, $0x38;
	[tilespmem:$0x6000] =	vst v63  }
0x2a0: {  	s25 =	sadd.s32 $0x60, s0;
	s24 =	sadd.s32 $0x1200, s1  }
0x2a1: {  	[hbm4b:s25+s3] =	stream.linear.scatter [tilespmem:s24], [sflag:$0x1], $0x80, $0x38;
	[tilespmem:$0x6000] =	vst v63  }
0x2a2: {  	s1 =	sadd.s32 $0x1500, s1;
	s31 =	sadd.s32 $0x70, s0  }
0x2a3: {  	[hbm4b:s31+s3] =	stream.linear.scatter [tilespmem:s1], [sflag:$0x1], $0x80, $0x38;
	[tilespmem:$0x6000] =	vst v63  }
0x2a4: {  	s1 =	sld [smem:$0x7FA];
	_ =	sdelay $0x2  }
0x2a5: {  	s9 =	sadd.s32 $0x0, s30;
	s0 =	sadd.s32 s28, s1  }
0x2a6: {  	[hbm4b:s0+s3] =	stream.linear.scatter [tilespmem:s9], [sflag:$0x1], $0x80, $0x38;
	[tilespmem:$0x6000] =	vst v63  }
0x2a7: {  	s4 =	sadd.s32 $0x300, s9;
	s11 =	sadd.s32 $0x600, s9;
	s10 =	sadd.s32 $0x10, s0  }
0x2a8: {  	[hbm4b:s10+s3] =	stream.linear.scatter [tilespmem:s4], [sflag:$0x1], $0x80, $0x38;
	[tilespmem:$0x6000] =	vst v63  }
0x2a9: {  	s19 =	sadd.s32 $0x900, s9;
	s21 =	sadd.s32 $0xC00, s9;
	s12 =	sadd.s32 $0x20, s0  }
0x2aa: {  	[hbm4b:s12+s3] =	stream.linear.scatter [tilespmem:s11], [sflag:$0x1], $0x80, $0x38;
	[tilespmem:$0x6000] =	vst v63  }
0x2ab: {  	s23 =	sadd.s32 $0xF00, s9;
	s25 =	sadd.s32 $0x1200, s9;
	s20 =	sadd.s32 $0x30, s0  }
0x2ac: {  	[hbm4b:s20+s3] =	stream.linear.scatter [tilespmem:s19], [sflag:$0x1], $0x80, $0x38;
	[tilespmem:$0x6000] =	vst v63  }
0x2ad: {  	s1 =	simm.s32 $0x1800;
	s22 =	sadd.s32 $0x40, s0;
	s24 =	sadd.s32 $0x50, s0  }
0x2ae: {  	[hbm4b:s22+s3] =	stream.linear.scatter [tilespmem:s21], [sflag:$0x1], $0x80, $0x38;
	[tilespmem:$0x6000] =	vst v63  }
0x2af: {  	s31 =	sadd.s32 $0x60, s0;
	s9 =	sadd.s32 $0x1500, s9;
	s4 =	simm.s32 $0xC000  }
0x2b0: {  	[hbm4b:s24+s3] =	stream.linear.scatter [tilespmem:s23], [sflag:$0x1], $0x80, $0x38;
	[tilespmem:$0x6000] =	vst v63  }
0x2b1: {  	s10 =	sadd.s32 $0x70, s0;
	s0 =	sadd.s32 $0x800, s0;
	s12 =	sld [smem:$0x7F4]  }
0x2b2: {  	[hbm4b:s31+s3] =	stream.linear.scatter [tilespmem:s25], [sflag:$0x1], $0x80, $0x38;
	[tilespmem:$0x6000] =	vst v63  }
.LBB2_27:
0x2b3: {  	[hbm4b:s10+s3] =	stream.linear.scatter [tilespmem:s9], [sflag:$0x1], $0x80, $0x38;
	[tilespmem:$0x6000] =	vst v63  }
0x2b4: {  	s9 =	smov.u32 s4  }
0x2b5: {  	s11 =	sadd.s32 $0x6000, s4;
	s10 =	sadd.s32 s1, s30;
	s1 =	sshra.s32 s9, $0x2  }
0x2b6: {  	[hbm4b:s0+s3] =	stream.linear.scatter [tilespmem:s10], [sflag:$0x1], $0x80, $0x38;
	[tilespmem:$0x6000] =	vst v63  }
0x2b7: {  	p0 =	sne.s32 s4, $0x12000;
	s4 =	sadd.s32 $0x300, s10;
	s9 =	sadd.s32 $0x10, s0  }
0x2b8: {  	[hbm4b:s9+s3] =	stream.linear.scatter [tilespmem:s4], [sflag:$0x1], $0x80, $0x38;
	[tilespmem:$0x6000] =	vst v63  }
0x2b9: {  	s4 =	sadd.s32 $0x600, s10;
	s9 =	sadd.s32 $0x20, s0  }
0x2ba: {  	[hbm4b:s9+s3] =	stream.linear.scatter [tilespmem:s4], [sflag:$0x1], $0x80, $0x38;
	[tilespmem:$0x6000] =	vst v63  }
0x2bb: {  	s4 =	sadd.s32 $0x900, s10;
	s9 =	sadd.s32 $0x30, s0  }
0x2bc: {  	[hbm4b:s9+s3] =	stream.linear.scatter [tilespmem:s4], [sflag:$0x1], $0x80, $0x38;
	[tilespmem:$0x6000] =	vst v63  }
0x2bd: {  	s4 =	sadd.s32 $0xC00, s10;
	s9 =	sadd.s32 $0x40, s0  }
0x2be: {  	[hbm4b:s9+s3] =	stream.linear.scatter [tilespmem:s4], [sflag:$0x1], $0x80, $0x38;
	[tilespmem:$0x6000] =	vst v63  }
0x2bf: {  	s4 =	sadd.s32 $0xF00, s10;
	s9 =	sadd.s32 $0x50, s0  }
0x2c0: {  	[hbm4b:s9+s3] =	stream.linear.scatter [tilespmem:s4], [sflag:$0x1], $0x80, $0x38;
	[tilespmem:$0x6000] =	vst v63  }
.Ltmp12:
0x2c1: {  	_ = 	snop;
	(pc) =	sbr.rel @p0 .LBB2_27-.Ltmp12, $4  }
0x2c2: {  	s4 =	sadd.s32 $0x1200, s10;
	s9 =	sadd.s32 $0x60, s0  }
0x2c3: {  	[hbm4b:s9+s3] =	stream.linear.scatter [tilespmem:s4], [sflag:$0x1], $0x80, $0x38;
	[tilespmem:$0x6000] =	vst v63  }
0x2c4: {  	s9 =	sadd.s32 $0x1500, s10  }
0x2c5: {  	s10 =	sadd.s32 $0x70, s0;
	s0 =	sadd.s32 $0x800, s0;
	s4 =	smov.u32 s11  }
0x2c6: {  	[hbm4b:s10+s3] =	stream.linear.scatter [tilespmem:s9], [sflag:$0x1], $0x80, $0x38;
	[tilespmem:$0x6000] =	vst v63  }
0x2c7: {  	s1 =	sadd.s32 s1, s30  }
0x2c8: {  	[hbm4b:s0+s3] =	stream.linear.scatter [tilespmem:s1], [sflag:$0x1], $0x80, $0x38;
	[tilespmem:$0x6000] =	vst v63  }
0x2c9: {  	s31 =	sadd.s32 $0x10, s0;
	s4 =	sadd.s32 $0x300, s1  }
0x2ca: {  	[hbm4b:s31+s3] =	stream.linear.scatter [tilespmem:s4], [sflag:$0x1], $0x80, $0x38;
	[tilespmem:$0x6000] =	vst v63  }
0x2cb: {  	s11 =	sadd.s32 $0x20, s0;
	s10 =	sadd.s32 $0x600, s1  }
0x2cc: {  	[hbm4b:s11+s3] =	stream.linear.scatter [tilespmem:s10], [sflag:$0x1], $0x80, $0x38;
	[tilespmem:$0x6000] =	vst v63  }
0x2cd: {  	s20 =	sadd.s32 $0x30, s0;
	s19 =	sadd.s32 $0x900, s1  }
0x2ce: {  	[hbm4b:s20+s3] =	stream.linear.scatter [tilespmem:s19], [sflag:$0x1], $0x80, $0x38;
	[tilespmem:$0x6000] =	vst v63  }
0x2cf: {  	s22 =	sadd.s32 $0x40, s0;
	s21 =	sadd.s32 $0xC00, s1  }
0x2d0: {  	[hbm4b:s22+s3] =	stream.linear.scatter [tilespmem:s21], [sflag:$0x1], $0x80, $0x38;
	[tilespmem:$0x6000] =	vst v63  }
0x2d1: {  	s24 =	sadd.s32 $0x50, s0;
	s23 =	sadd.s32 $0xF00, s1  }
0x2d2: {  	[hbm4b:s24+s3] =	stream.linear.scatter [tilespmem:s23], [sflag:$0x1], $0x80, $0x38;
	[tilespmem:$0x6000] =	vst v63  }
0x2d3: {  	s30 =	sadd.s32 $0x60, s0;
	s25 =	sadd.s32 $0x1200, s1  }
0x2d4: {  	[hbm4b:s30+s3] =	stream.linear.scatter [tilespmem:s25], [sflag:$0x1], $0x80, $0x38;
	[tilespmem:$0x6000] =	vst v63  }
0x2d5: {  	s1 =	sadd.s32 $0x1500, s1;
	s31 =	sadd.s32 $0x70, s0  }
0x2d6: {  	[hbm4b:s31+s3] =	stream.linear.scatter [tilespmem:s1], [sflag:$0x1], $0x80, $0x38;
	[tilespmem:$0x6000] =	vst v63  }
0x2d7: {  	s1 =	sld [smem:$0x7FB];
	_ =	sdelay $0x2  }
0x2d8: {  	s9 =	sadd.s32 $0x0, s29;
	s0 =	sadd.s32 s28, s1  }
0x2d9: {  	[hbm4b:s0+s3] =	stream.linear.scatter [tilespmem:s9], [sflag:$0x1], $0x80, $0x38;
	[tilespmem:$0x6000] =	vst v63  }
0x2da: {  	s4 =	sadd.s32 $0x300, s9;
	s10 =	sadd.s32 $0x10, s0  }
0x2db: {  	[hbm4b:s10+s3] =	stream.linear.scatter [tilespmem:s4], [sflag:$0x1], $0x80, $0x38;
	[tilespmem:$0x6000] =	vst v63  }
0x2dc: {  	s11 =	sadd.s32 $0x600, s9;
	s20 =	sadd.s32 $0x900, s9;
	s19 =	sadd.s32 $0x20, s0  }
0x2dd: {  	[hbm4b:s19+s3] =	stream.linear.scatter [tilespmem:s11], [sflag:$0x1], $0x80, $0x38;
	[tilespmem:$0x6000] =	vst v63  }
0x2de: {  	s22 =	sadd.s32 $0xC00, s9;
	s24 =	sadd.s32 $0xF00, s9;
	s21 =	sadd.s32 $0x30, s0  }
0x2df: {  	[hbm4b:s21+s3] =	stream.linear.scatter [tilespmem:s20], [sflag:$0x1], $0x80, $0x38;
	[tilespmem:$0x6000] =	vst v63  }
0x2e0: {  	s30 =	sadd.s32 $0x1200, s9;
	s1 =	simm.s32 $0x1800;
	s23 =	sadd.s32 $0x40, s0  }
0x2e1: {  	[hbm4b:s23+s3] =	stream.linear.scatter [tilespmem:s22], [sflag:$0x1], $0x80, $0x38;
	[tilespmem:$0x6000] =	vst v63  }
0x2e2: {  	s25 =	sadd.s32 $0x50, s0;
	s31 =	sadd.s32 $0x60, s0;
	s9 =	sadd.s32 $0x1500, s9  }
0x2e3: {  	[hbm4b:s25+s3] =	stream.linear.scatter [tilespmem:s24], [sflag:$0x1], $0x80, $0x38;
	[tilespmem:$0x6000] =	vst v63  }
0x2e4: {  	s4 =	simm.s32 $0xC000;
	s10 =	sadd.s32 $0x70, s0;
	s0 =	sadd.s32 $0x800, s0  }
0x2e5: {  	[hbm4b:s31+s3] =	stream.linear.scatter [tilespmem:s30], [sflag:$0x1], $0x80, $0x38;
	[tilespmem:$0x6000] =	vst v63  }
.LBB2_29:
0x2e6: {  	[hbm4b:s10+s3] =	stream.linear.scatter [tilespmem:s9], [sflag:$0x1], $0x80, $0x38;
	[tilespmem:$0x6000] =	vst v63  }
0x2e7: {  	s9 =	smov.u32 s4  }
0x2e8: {  	s11 =	sadd.s32 $0x6000, s4;
	s10 =	sadd.s32 s1, s29;
	s1 =	sshra.s32 s9, $0x2  }
0x2e9: {  	[hbm4b:s0+s3] =	stream.linear.scatter [tilespmem:s10], [sflag:$0x1], $0x80, $0x38;
	[tilespmem:$0x6000] =	vst v63  }
0x2ea: {  	p0 =	sne.s32 s4, $0x12000;
	s4 =	sadd.s32 $0x300, s10;
	s9 =	sadd.s32 $0x10, s0  }
0x2eb: {  	[hbm4b:s9+s3] =	stream.linear.scatter [tilespmem:s4], [sflag:$0x1], $0x80, $0x38;
	[tilespmem:$0x6000] =	vst v63  }
0x2ec: {  	s4 =	sadd.s32 $0x600, s10;
	s9 =	sadd.s32 $0x20, s0  }
0x2ed: {  	[hbm4b:s9+s3] =	stream.linear.scatter [tilespmem:s4], [sflag:$0x1], $0x80, $0x38;
	[tilespmem:$0x6000] =	vst v63  }
0x2ee: {  	s4 =	sadd.s32 $0x900, s10;
	s9 =	sadd.s32 $0x30, s0  }
0x2ef: {  	[hbm4b:s9+s3] =	stream.linear.scatter [tilespmem:s4], [sflag:$0x1], $0x80, $0x38;
	[tilespmem:$0x6000] =	vst v63  }
0x2f0: {  	s4 =	sadd.s32 $0xC00, s10;
	s9 =	sadd.s32 $0x40, s0  }
0x2f1: {  	[hbm4b:s9+s3] =	stream.linear.scatter [tilespmem:s4], [sflag:$0x1], $0x80, $0x38;
	[tilespmem:$0x6000] =	vst v63  }
0x2f2: {  	s4 =	sadd.s32 $0xF00, s10;
	s9 =	sadd.s32 $0x50, s0  }
0x2f3: {  	[hbm4b:s9+s3] =	stream.linear.scatter [tilespmem:s4], [sflag:$0x1], $0x80, $0x38;
	[tilespmem:$0x6000] =	vst v63  }
.Ltmp13:
0x2f4: {  	_ = 	snop;
	(pc) =	sbr.rel @p0 .LBB2_29-.Ltmp13, $4  }
0x2f5: {  	s4 =	sadd.s32 $0x1200, s10;
	s9 =	sadd.s32 $0x60, s0  }
0x2f6: {  	[hbm4b:s9+s3] =	stream.linear.scatter [tilespmem:s4], [sflag:$0x1], $0x80, $0x38;
	[tilespmem:$0x6000] =	vst v63  }
0x2f7: {  	s9 =	sadd.s32 $0x1500, s10  }
0x2f8: {  	s10 =	sadd.s32 $0x70, s0;
	s0 =	sadd.s32 $0x800, s0;
	s4 =	smov.u32 s11  }
0x2f9: {  	[hbm4b:s10+s3] =	stream.linear.scatter [tilespmem:s9], [sflag:$0x1], $0x80, $0x38;
	[tilespmem:$0x6000] =	vst v63  }
0x2fa: {  	s1 =	sadd.s32 s1, s29  }
0x2fb: {  	[hbm4b:s0+s3] =	stream.linear.scatter [tilespmem:s1], [sflag:$0x1], $0x80, $0x38;
	[tilespmem:$0x6000] =	vst v63  }
0x2fc: {  	s11 =	sadd.s32 $0x10, s0;
	s4 =	sadd.s32 $0x300, s1  }
0x2fd: {  	[hbm4b:s11+s3] =	stream.linear.scatter [tilespmem:s4], [sflag:$0x1], $0x80, $0x38;
	[tilespmem:$0x6000] =	vst v63  }
0x2fe: {  	s20 =	sadd.s32 $0x20, s0;
	s19 =	sadd.s32 $0x600, s1  }
0x2ff: {  	[hbm4b:s20+s3] =	stream.linear.scatter [tilespmem:s19], [sflag:$0x1], $0x80, $0x38;
	[tilespmem:$0x6000] =	vst v63  }
0x300: {  	s22 =	sadd.s32 $0x30, s0;
	s21 =	sadd.s32 $0x900, s1  }
0x301: {  	[hbm4b:s22+s3] =	stream.linear.scatter [tilespmem:s21], [sflag:$0x1], $0x80, $0x38;
	[tilespmem:$0x6000] =	vst v63  }
0x302: {  	s24 =	sadd.s32 $0x40, s0;
	s23 =	sadd.s32 $0xC00, s1  }
0x303: {  	[hbm4b:s24+s3] =	stream.linear.scatter [tilespmem:s23], [sflag:$0x1], $0x80, $0x38;
	[tilespmem:$0x6000] =	vst v63  }
0x304: {  	s29 =	sadd.s32 $0x50, s0;
	s25 =	sadd.s32 $0xF00, s1  }
0x305: {  	[hbm4b:s29+s3] =	stream.linear.scatter [tilespmem:s25], [sflag:$0x1], $0x80, $0x38;
	[tilespmem:$0x6000] =	vst v63  }
0x306: {  	s31 =	sadd.s32 $0x60, s0;
	s9 =	sld [smem:$0x7FC];
	s30 =	sadd.s32 $0x1200, s1  }
0x307: {  	[hbm4b:s31+s3] =	stream.linear.scatter [tilespmem:s30], [sflag:$0x1], $0x80, $0x38;
	[tilespmem:$0x6000] =	vst v63  }
0x308: {  	s1 =	sadd.s32 $0x1500, s1;
	s4 =	sadd.s32 $0x70, s0  }
0x309: {  	[hbm4b:s4+s3] =	stream.linear.scatter [tilespmem:s1], [sflag:$0x1], $0x80, $0x38;
	[tilespmem:$0x6000] =	vst v63  }
0x30a: {  	s0 =	sadd.s32 s28, s9;
	s9 =	sadd.s32 $0x0, s26  }
0x30b: {  	[hbm4b:s0+s3] =	stream.linear.scatter [tilespmem:s9], [sflag:$0x1], $0x80, $0x38;
	[tilespmem:$0x6000] =	vst v63  }
0x30c: {  	s10 =	sadd.s32 $0x300, s9;
	s11 =	sadd.s32 $0x10, s0  }
0x30d: {  	[hbm4b:s11+s3] =	stream.linear.scatter [tilespmem:s10], [sflag:$0x1], $0x80, $0x38;
	[tilespmem:$0x6000] =	vst v63  }
0x30e: {  	s19 =	sadd.s32 $0x600, s9;
	s20 =	sadd.s32 $0x20, s0;
	s21 =	sadd.s32 $0x900, s9  }
0x30f: {  	[hbm4b:s20+s3] =	stream.linear.scatter [tilespmem:s19], [sflag:$0x1], $0x80, $0x38;
	[tilespmem:$0x6000] =	vst v63  }
0x310: {  	s22 =	sadd.s32 $0x30, s0;
	s23 =	sadd.s32 $0xC00, s9;
	s24 =	sadd.s32 $0x40, s0  }
0x311: {  	[hbm4b:s22+s3] =	stream.linear.scatter [tilespmem:s21], [sflag:$0x1], $0x80, $0x38;
	[tilespmem:$0x6000] =	vst v63  }
0x312: {  	s25 =	sadd.s32 $0xF00, s9;
	s29 =	sadd.s32 $0x50, s0;
	s30 =	sadd.s32 $0x1200, s9  }
0x313: {  	[hbm4b:s24+s3] =	stream.linear.scatter [tilespmem:s23], [sflag:$0x1], $0x80, $0x38;
	[tilespmem:$0x6000] =	vst v63  }
0x314: {  	s31 =	sadd.s32 $0x60, s0;
	s1 =	simm.s32 $0x1800;
	s4 =	simm.s32 $0xC000  }
0x315: {  	[hbm4b:s29+s3] =	stream.linear.scatter [tilespmem:s25], [sflag:$0x1], $0x80, $0x38;
	[tilespmem:$0x6000] =	vst v63  }
0x316: {  	s9 =	sadd.s32 $0x1500, s9;
	s10 =	sadd.s32 $0x70, s0;
	s0 =	sadd.s32 $0x800, s0  }
0x317: {  	[hbm4b:s31+s3] =	stream.linear.scatter [tilespmem:s30], [sflag:$0x1], $0x80, $0x38;
	[tilespmem:$0x6000] =	vst v63  }
.LBB2_31:
0x318: {  	[hbm4b:s10+s3] =	stream.linear.scatter [tilespmem:s9], [sflag:$0x1], $0x80, $0x38;
	[tilespmem:$0x6000] =	vst v63  }
0x319: {  	s9 =	smov.u32 s4  }
0x31a: {  	s11 =	sadd.s32 $0x6000, s4;
	s10 =	sadd.s32 s1, s26;
	s1 =	sshra.s32 s9, $0x2  }
0x31b: {  	[hbm4b:s0+s3] =	stream.linear.scatter [tilespmem:s10], [sflag:$0x1], $0x80, $0x38;
	[tilespmem:$0x6000] =	vst v63  }
0x31c: {  	p0 =	sne.s32 s4, $0x12000;
	s4 =	sadd.s32 $0x300, s10;
	s9 =	sadd.s32 $0x10, s0  }
0x31d: {  	[hbm4b:s9+s3] =	stream.linear.scatter [tilespmem:s4], [sflag:$0x1], $0x80, $0x38;
	[tilespmem:$0x6000] =	vst v63  }
0x31e: {  	s4 =	sadd.s32 $0x600, s10;
	s9 =	sadd.s32 $0x20, s0  }
0x31f: {  	[hbm4b:s9+s3] =	stream.linear.scatter [tilespmem:s4], [sflag:$0x1], $0x80, $0x38;
	[tilespmem:$0x6000] =	vst v63  }
0x320: {  	s4 =	sadd.s32 $0x900, s10;
	s9 =	sadd.s32 $0x30, s0  }
0x321: {  	[hbm4b:s9+s3] =	stream.linear.scatter [tilespmem:s4], [sflag:$0x1], $0x80, $0x38;
	[tilespmem:$0x6000] =	vst v63  }
0x322: {  	s4 =	sadd.s32 $0xC00, s10;
	s9 =	sadd.s32 $0x40, s0  }
0x323: {  	[hbm4b:s9+s3] =	stream.linear.scatter [tilespmem:s4], [sflag:$0x1], $0x80, $0x38;
	[tilespmem:$0x6000] =	vst v63  }
0x324: {  	s4 =	sadd.s32 $0xF00, s10;
	s9 =	sadd.s32 $0x50, s0  }
0x325: {  	[hbm4b:s9+s3] =	stream.linear.scatter [tilespmem:s4], [sflag:$0x1], $0x80, $0x38;
	[tilespmem:$0x6000] =	vst v63  }
.Ltmp14:
0x326: {  	_ = 	snop;
	(pc) =	sbr.rel @p0 .LBB2_31-.Ltmp14, $4  }
0x327: {  	s4 =	sadd.s32 $0x1200, s10;
	s9 =	sadd.s32 $0x60, s0  }
0x328: {  	[hbm4b:s9+s3] =	stream.linear.scatter [tilespmem:s4], [sflag:$0x1], $0x80, $0x38;
	[tilespmem:$0x6000] =	vst v63  }
0x329: {  	s9 =	sadd.s32 $0x1500, s10  }
0x32a: {  	s10 =	sadd.s32 $0x70, s0;
	s0 =	sadd.s32 $0x800, s0;
	s4 =	smov.u32 s11  }
0x32b: {  	[hbm4b:s10+s3] =	stream.linear.scatter [tilespmem:s9], [sflag:$0x1], $0x80, $0x38;
	[tilespmem:$0x6000] =	vst v63  }
0x32c: {  	s1 =	sadd.s32 s1, s26  }
0x32d: {  	[hbm4b:s0+s3] =	stream.linear.scatter [tilespmem:s1], [sflag:$0x1], $0x80, $0x38;
	[tilespmem:$0x6000] =	vst v63  }
0x32e: {  	s19 =	sadd.s32 $0x10, s0;
	s4 =	sadd.s32 $0x300, s1  }
0x32f: {  	[hbm4b:s19+s3] =	stream.linear.scatter [tilespmem:s4], [sflag:$0x1], $0x80, $0x38;
	[tilespmem:$0x6000] =	vst v63  }
0x330: {  	s21 =	sadd.s32 $0x20, s0;
	s20 =	sadd.s32 $0x600, s1  }
0x331: {  	[hbm4b:s21+s3] =	stream.linear.scatter [tilespmem:s20], [sflag:$0x1], $0x80, $0x38;
	[tilespmem:$0x6000] =	vst v63  }
0x332: {  	s23 =	sadd.s32 $0x30, s0;
	s22 =	sadd.s32 $0x900, s1  }
0x333: {  	[hbm4b:s23+s3] =	stream.linear.scatter [tilespmem:s22], [sflag:$0x1], $0x80, $0x38;
	[tilespmem:$0x6000] =	vst v63  }
0x334: {  	s25 =	sadd.s32 $0x40, s0;
	s24 =	sadd.s32 $0xC00, s1  }
0x335: {  	[hbm4b:s25+s3] =	stream.linear.scatter [tilespmem:s24], [sflag:$0x1], $0x80, $0x38;
	[tilespmem:$0x6000] =	vst v63  }
0x336: {  	s29 =	sadd.s32 $0x50, s0;
	s26 =	sadd.s32 $0xF00, s1  }
0x337: {  	[hbm4b:s29+s3] =	stream.linear.scatter [tilespmem:s26], [sflag:$0x1], $0x80, $0x38;
	[tilespmem:$0x6000] =	vst v63  }
0x338: {  	s31 =	sadd.s32 $0x60, s0;
	s10 =	sld [smem:$0x7FD];
	s30 =	sadd.s32 $0x1200, s1  }
0x339: {  	[hbm4b:s31+s3] =	stream.linear.scatter [tilespmem:s30], [sflag:$0x1], $0x80, $0x38;
	[tilespmem:$0x6000] =	vst v63  }
0x33a: {  	s9 =	sadd.s32 $0x70, s0;
	s1 =	sadd.s32 $0x1500, s1  }
0x33b: {  	[hbm4b:s9+s3] =	stream.linear.scatter [tilespmem:s1], [sflag:$0x1], $0x80, $0x38;
	[tilespmem:$0x6000] =	vst v63  }
0x33c: {  	s11 =	sadd.s32 $0x0, s8;
	s0 =	sadd.s32 s28, s10  }
0x33d: {  	[hbm4b:s0+s3] =	stream.linear.scatter [tilespmem:s11], [sflag:$0x1], $0x80, $0x38;
	[tilespmem:$0x6000] =	vst v63  }
0x33e: {  	s19 =	sadd.s32 $0x300, s11;
	s20 =	sadd.s32 $0x10, s0  }
0x33f: {  	[hbm4b:s20+s3] =	stream.linear.scatter [tilespmem:s19], [sflag:$0x1], $0x80, $0x38;
	[tilespmem:$0x6000] =	vst v63  }
0x340: {  	s28 =	sadd.s32 $0xF00, s11;
	s21 =	sadd.s32 $0x600, s11;
	s22 =	sadd.s32 $0x20, s0  }
0x341: {  	[hbm4b:s22+s3] =	stream.linear.scatter [tilespmem:s21], [sflag:$0x1], $0x80, $0x38;
	[tilespmem:$0x6000] =	vst v63  }
0x342: {  	s4 =	simm.s32 $0xC000;
	s23 =	sadd.s32 $0x900, s11;
	s24 =	sadd.s32 $0x30, s0  }
0x343: {  	[hbm4b:s24+s3] =	stream.linear.scatter [tilespmem:s23], [sflag:$0x1], $0x80, $0x38;
	[tilespmem:$0x6000] =	vst v63  }
0x344: {  	s10 =	sadd.s32 $0x70, s0;
	s25 =	sadd.s32 $0xC00, s11;
	s26 =	sadd.s32 $0x40, s0  }
0x345: {  	[hbm4b:s26+s3] =	stream.linear.scatter [tilespmem:s25], [sflag:$0x1], $0x80, $0x38;
	[tilespmem:$0x6000] =	vst v63  }
0x346: {  	s29 =	sadd.s32 $0x50, s0;
	s30 =	sadd.s32 $0x1200, s11;
	s31 =	sadd.s32 $0x60, s0  }
0x347: {  	[hbm4b:s29+s3] =	stream.linear.scatter [tilespmem:s28], [sflag:$0x1], $0x80, $0x38;
	[tilespmem:$0x6000] =	vst v63  }
0x348: {  	s1 =	simm.s32 $0x1800;
	s9 =	sadd.s32 $0x1500, s11;
	s0 =	sadd.s32 $0x800, s0  }
0x349: {  	[hbm4b:s31+s3] =	stream.linear.scatter [tilespmem:s30], [sflag:$0x1], $0x80, $0x38;
	[tilespmem:$0x6000] =	vst v63  }
.LBB2_33:
0x34a: {  	[hbm4b:s10+s3] =	stream.linear.scatter [tilespmem:s9], [sflag:$0x1], $0x80, $0x38;
	[tilespmem:$0x6000] =	vst v63  }
0x34b: {  	s9 =	smov.u32 s4  }
0x34c: {  	s11 =	sadd.s32 $0x6000, s4;
	s10 =	sadd.s32 s1, s8;
	s1 =	sshra.s32 s9, $0x2  }
0x34d: {  	[hbm4b:s0+s3] =	stream.linear.scatter [tilespmem:s10], [sflag:$0x1], $0x80, $0x38;
	[tilespmem:$0x6000] =	vst v63  }
0x34e: {  	p0 =	sne.s32 s4, $0x12000;
	s4 =	sadd.s32 $0x300, s10;
	s9 =	sadd.s32 $0x10, s0  }
0x34f: {  	[hbm4b:s9+s3] =	stream.linear.scatter [tilespmem:s4], [sflag:$0x1], $0x80, $0x38;
	[tilespmem:$0x6000] =	vst v63  }
0x350: {  	s4 =	sadd.s32 $0x600, s10;
	s9 =	sadd.s32 $0x20, s0  }
0x351: {  	[hbm4b:s9+s3] =	stream.linear.scatter [tilespmem:s4], [sflag:$0x1], $0x80, $0x38;
	[tilespmem:$0x6000] =	vst v63  }
0x352: {  	s4 =	sadd.s32 $0x900, s10;
	s9 =	sadd.s32 $0x30, s0  }
0x353: {  	[hbm4b:s9+s3] =	stream.linear.scatter [tilespmem:s4], [sflag:$0x1], $0x80, $0x38;
	[tilespmem:$0x6000] =	vst v63  }
0x354: {  	s4 =	sadd.s32 $0xC00, s10;
	s9 =	sadd.s32 $0x40, s0  }
0x355: {  	[hbm4b:s9+s3] =	stream.linear.scatter [tilespmem:s4], [sflag:$0x1], $0x80, $0x38;
	[tilespmem:$0x6000] =	vst v63  }
0x356: {  	s4 =	sadd.s32 $0xF00, s10;
	s9 =	sadd.s32 $0x50, s0  }
0x357: {  	[hbm4b:s9+s3] =	stream.linear.scatter [tilespmem:s4], [sflag:$0x1], $0x80, $0x38;
	[tilespmem:$0x6000] =	vst v63  }
.Ltmp15:
0x358: {  	_ = 	snop;
	(pc) =	sbr.rel @p0 .LBB2_33-.Ltmp15, $4  }
0x359: {  	s4 =	sadd.s32 $0x1200, s10;
	s9 =	sadd.s32 $0x60, s0  }
0x35a: {  	[hbm4b:s9+s3] =	stream.linear.scatter [tilespmem:s4], [sflag:$0x1], $0x80, $0x38;
	[tilespmem:$0x6000] =	vst v63  }
0x35b: {  	s9 =	sadd.s32 $0x1500, s10  }
0x35c: {  	s10 =	sadd.s32 $0x70, s0;
	s0 =	sadd.s32 $0x800, s0;
	s4 =	smov.u32 s11  }
0x35d: {  	[hbm4b:s10+s3] =	stream.linear.scatter [tilespmem:s9], [sflag:$0x1], $0x80, $0x38;
	[tilespmem:$0x6000] =	vst v63  }
0x35e: {  	s1 =	sadd.s32 s1, s8  }
0x35f: {  	[hbm4b:s0+s3] =	stream.linear.scatter [tilespmem:s1], [sflag:$0x1], $0x80, $0x38;
	[tilespmem:$0x6000] =	vst v63  }
0x360: {  	s31 =	sadd.s32 $0x10, s0;
	s4 =	sadd.s32 $0x300, s1  }
0x361: {  	[hbm4b:s31+s3] =	stream.linear.scatter [tilespmem:s4], [sflag:$0x1], $0x80, $0x38;
	[tilespmem:$0x6000] =	vst v63  }
0x362: {  	s9 =	sadd.s32 $0x20, s0;
	s8 =	sadd.s32 $0x600, s1  }
0x363: {  	[hbm4b:s9+s3] =	stream.linear.scatter [tilespmem:s8], [sflag:$0x1], $0x80, $0x38;
	[tilespmem:$0x6000] =	vst v63  }
0x364: {  	s11 =	sadd.s32 $0x30, s0;
	s10 =	sadd.s32 $0x900, s1  }
0x365: {  	[hbm4b:s11+s3] =	stream.linear.scatter [tilespmem:s10], [sflag:$0x1], $0x80, $0x38;
	[tilespmem:$0x6000] =	vst v63  }
0x366: {  	s20 =	sadd.s32 $0x40, s0;
	s19 =	sadd.s32 $0xC00, s1  }
0x367: {  	[hbm4b:s20+s3] =	stream.linear.scatter [tilespmem:s19], [sflag:$0x1], $0x80, $0x38;
	[tilespmem:$0x6000] =	vst v63  }
0x368: {  	s22 =	sadd.s32 $0x50, s0;
	s21 =	sadd.s32 $0xF00, s1  }
0x369: {  	[hbm4b:s22+s3] =	stream.linear.scatter [tilespmem:s21], [sflag:$0x1], $0x80, $0x38;
	[tilespmem:$0x6000] =	vst v63  }
0x36a: {  	s24 =	sadd.s32 $0x60, s0;
	p0 =	seq.s32 s7, $0x0;
	s23 =	sadd.s32 $0x1200, s1  }
0x36b: {  	[hbm4b:s24+s3] =	stream.linear.scatter [tilespmem:s23], [sflag:$0x1], $0x80, $0x38;
	[tilespmem:$0x6000] =	vst v63  }
0x36c: {  	s25 =	sadd.s32 $0x70, s0;
	s1 =	sadd.s32 $0x1500, s1;
	s0 =	simm.s32 @!p0 $0x1  }
0x36d: {  	[hbm4b:s25+s3] =	stream.linear.scatter [tilespmem:s1], [sflag:$0x1], $0x80, $0x38;
	[tilespmem:$0x6000] =	vst v63  }
0x36e: {  	_ =	swait.ge @!p0 [sflag:s0], $0x1000  }
0x36f: {  	[sflag:s0] =	ssyncset.done @!p0 $0x0  }
0x370: {  	[sflag:s0] =	ssyncadd.s32 @!p0 $0xFFFFF000  }
0x371: {  	_ =	swait.ge @!p0 [sflag:s0], $0x1000  }
0x372: {  	[sflag:s0] =	ssyncset.done @!p0 $0x0  }
0x373: {  	[sflag:s0] =	ssyncadd.s32 @!p0 $0xFFFFF000  }
0x374: {  	_ =	swait.ge @!p0 [sflag:s0], $0x1000  }
0x375: {  	[sflag:s0] =	ssyncset.done @!p0 $0x0  }
0x376: {  	[sflag:s0] =	ssyncadd.s32 @!p0 $0xFFFFF000  }
0x377: {  	_ =	swait.ge @!p0 [sflag:s0], $0x1000  }
0x378: {  	[sflag:s0] =	ssyncset.done @!p0 $0x0  }
0x379: {  	[sflag:s0] =	ssyncadd.s32 @!p0 $0xFFFFF000  }
0x37a: {  	_ =	swait.ge @!p0 [sflag:s0], $0x1000  }
0x37b: {  	[sflag:s0] =	ssyncset.done @!p0 $0x0  }
0x37c: {  	[sflag:s0] =	ssyncadd.s32 @!p0 $0xFFFFF000  }
0x37d: {  	_ =	swait.ge @!p0 [sflag:s0], $0x1000  }
0x37e: {  	[sflag:s0] =	ssyncset.done @!p0 $0x0  }
0x37f: {  	[sflag:s0] =	ssyncadd.s32 @!p0 $0xFFFFF000  }
0x380: {  	_ =	swait.ge @!p0 [sflag:s0], $0x1000  }
0x381: {  	[sflag:s0] =	ssyncset.done @!p0 $0x0  }
0x382: {  	[sflag:s0] =	ssyncadd.s32 @!p0 $0xFFFFF000  }
0x383: {  	_ =	swait.ge @!p0 [sflag:s0], $0x1000  }
0x384: {  	[sflag:s0] =	ssyncset.done @!p0 $0x0  }
0x385: {  	[sflag:s0] =	ssyncadd.s32 @!p0 $0xFFFFF000  }
0x386: {  	_ =	swait.ge @!p0 [sflag:s0], $0x1000  }
0x387: {  	[sflag:s0] =	ssyncset.done @!p0 $0x0  }
0x388: {  	[sflag:s0] =	ssyncadd.s32 @!p0 $0xFFFFF000  }
0x389: {  	_ =	swait.ge @!p0 [sflag:s0], $0x1000  }
0x38a: {  	[sflag:s0] =	ssyncset.done @!p0 $0x0  }
0x38b: {  	[sflag:s0] =	ssyncadd.s32 @!p0 $0xFFFFF000  }
0x38c: {  	_ =	swait.ge @!p0 [sflag:s0], $0x1000  }
0x38d: {  	[sflag:s0] =	ssyncset.done @!p0 $0x0  }
0x38e: {  	[sflag:s0] =	ssyncadd.s32 @!p0 $0xFFFFF000  }
0x38f: {  	_ =	swait.ge @!p0 [sflag:s0], $0x1000  }
0x390: {  	[sflag:s0] =	ssyncset.done @!p0 $0x0  }
0x391: {  	[sflag:s0] =	ssyncadd.s32 @!p0 $0xFFFFF000  }
0x392: {  	_ =	swait.ge @!p0 [sflag:s0], $0x1000  }
0x393: {  	[sflag:s0] =	ssyncset.done @!p0 $0x0  }
0x394: {  	[sflag:s0] =	ssyncadd.s32 @!p0 $0xFFFFF000  }
0x395: {  	_ =	swait.ge @!p0 [sflag:s0], $0x1000  }
0x396: {  	[sflag:s0] =	ssyncset.done @!p0 $0x0  }
0x397: {  	[sflag:s0] =	ssyncadd.s32 @!p0 $0xFFFFF000  }
0x398: {  	_ =	swait.ge @!p0 [sflag:s0], $0x1000  }
0x399: {  	[sflag:s0] =	ssyncset.done @!p0 $0x0  }
0x39a: {  	[sflag:s0] =	ssyncadd.s32 @!p0 $0xFFFFF000  }
0x39b: {  	_ =	swait.ge @!p0 [sflag:s0], $0x1000  }
0x39c: {  	s7 =	sadd.s32 $0x1, s7;
	s6 =	sadd.s32 $0xFFFFFFF8, s6;
	s11 =	sld [smem:$0x7F3]  }
0x39d: {  	s5 =	sadd.s32 $0xFFFFFFF8, s5;
	s14 =	sadd.s32 $0xFFFFFFF8, s14;
	s26 =	sld [smem:$0x7F2]  }
0x39e: {  	s2 =	sadd.s32 $0xFFFFFFF8, s2;
	[sflag:s0] =	ssyncset.done @!p0 $0x0;
	s28 =	sld [smem:$0x7F1]  }
0x39f: {  	s29 =	sld [smem:$0x7F0];
	[sflag:s0] =	ssyncadd.s32 @!p0 $0xFFFFF000;
	p0 =	sne.s32 s7, $0x40  }
.Ltmp16:
0x3a0: {  	s15 =	sadd.s32 $0xFFFFFFF8, s15;
	s30 =	sld [smem:$0x7EF];
	(pc) =	sbr.rel @p0 .LBB2_2-.Ltmp16, $4  }
0x3a1: {  	s13 =	sadd.s32 $0xFFFFFFF8, s13;
	s18 =	sadd.s32 $0xFFFFFFF8, s18;
	s31 =	sld [smem:$0x7EE]  }
0x3a2: {  	s17 =	sadd.s32 $0xFFFFFFF8, s17;
	s16 =	sadd.s32 $0xFFFFFFF8, s16;
	s12 =	sadd.s32 $0xFFFFFFF8, s12  }
0x3a3: {  	s11 =	sadd.s32 $0xFFFFFFF8, s11;
	s10 =	sadd.s32 $0xFFFFFFF8, s26;
	s9 =	sadd.s32 $0xFFFFFFF8, s28  }
0x3a4: {  	s4 =	sadd.s32 $0xFFFFFFF8, s29;
	s1 =	sadd.s32 $0xFFFFFFF8, s30;
	s0 =	sadd.s32 $0xFFFFFFF8, s31  }
0x3a5: {  	s1 =	simm.s32 $0x1  }
0x3a6: {  	_ =	swait.ge [sflag:s1], $0x1000  }
0x3a7: {  	[sflag:s1] =	ssyncset.done $0x0  }
0x3a8: {  	[sflag:s1] =	ssyncadd.s32 $0xFFFFF000  }
0x3a9: {  	_ =	swait.ge [sflag:s1], $0x1000  }
0x3aa: {  	[sflag:s1] =	ssyncset.done $0x0  }
0x3ab: {  	[sflag:s1] =	ssyncadd.s32 $0xFFFFF000  }
0x3ac: {  	_ =	swait.ge [sflag:s1], $0x1000  }
0x3ad: {  	[sflag:s1] =	ssyncset.done $0x0  }
0x3ae: {  	[sflag:s1] =	ssyncadd.s32 $0xFFFFF000  }
0x3af: {  	_ =	swait.ge [sflag:s1], $0x1000  }
0x3b0: {  	[sflag:s1] =	ssyncset.done $0x0  }
0x3b1: {  	[sflag:s1] =	ssyncadd.s32 $0xFFFFF000  }
0x3b2: {  	_ =	swait.ge [sflag:s1], $0x1000  }
0x3b3: {  	[sflag:s1] =	ssyncset.done $0x0  }
0x3b4: {  	[sflag:s1] =	ssyncadd.s32 $0xFFFFF000  }
0x3b5: {  	_ =	swait.ge [sflag:s1], $0x1000  }
0x3b6: {  	[sflag:s1] =	ssyncset.done $0x0  }
0x3b7: {  	[sflag:s1] =	ssyncadd.s32 $0xFFFFF000  }
0x3b8: {  	_ =	swait.ge [sflag:s1], $0x1000  }
0x3b9: {  	[sflag:s1] =	ssyncset.done $0x0  }
0x3ba: {  	[sflag:s1] =	ssyncadd.s32 $0xFFFFF000  }
0x3bb: {  	_ =	swait.ge [sflag:s1], $0x1000  }
0x3bc: {  	[sflag:s1] =	ssyncset.done $0x0  }
0x3bd: {  	[sflag:s1] =	ssyncadd.s32 $0xFFFFF000  }
0x3be: {  	_ =	swait.ge [sflag:s1], $0x1000  }
0x3bf: {  	[sflag:s1] =	ssyncset.done $0x0  }
0x3c0: {  	[sflag:s1] =	ssyncadd.s32 $0xFFFFF000  }
0x3c1: {  	_ =	swait.ge [sflag:s1], $0x1000  }
0x3c2: {  	[sflag:s1] =	ssyncset.done $0x0  }
0x3c3: {  	[sflag:s1] =	ssyncadd.s32 $0xFFFFF000  }
0x3c4: {  	_ =	swait.ge [sflag:s1], $0x1000  }
0x3c5: {  	[sflag:s1] =	ssyncset.done $0x0  }
0x3c6: {  	[sflag:s1] =	ssyncadd.s32 $0xFFFFF000  }
0x3c7: {  	_ =	swait.ge [sflag:s1], $0x1000  }
0x3c8: {  	[sflag:s1] =	ssyncset.done $0x0  }
0x3c9: {  	[sflag:s1] =	ssyncadd.s32 $0xFFFFF000  }
0x3ca: {  	_ =	swait.ge [sflag:s1], $0x1000  }
0x3cb: {  	[sflag:s1] =	ssyncset.done $0x0  }
0x3cc: {  	[sflag:s1] =	ssyncadd.s32 $0xFFFFF000  }
0x3cd: {  	_ =	swait.ge [sflag:s1], $0x1000  }
0x3ce: {  	[sflag:s1] =	ssyncset.done $0x0  }
0x3cf: {  	[sflag:s1] =	ssyncadd.s32 $0xFFFFF000  }
0x3d0: {  	_ =	swait.ge [sflag:s1], $0x1000  }
0x3d1: {  	[sflag:s1] =	ssyncset.done $0x0  }
0x3d2: {  	[sflag:s1] =	ssyncadd.s32 $0xFFFFF000  }
0x3d3: {  	_ =	swait.ge [sflag:s1], $0x1000  }
0x3d4: {  	s2 =	sld [smem:$0x7F8];
	_ =	sdelay $0x2  }
0x3d5: {  	s0 =	rddreg [dreg:$0x8];
	s2 =	sadd.s32 $0x1, s2  }
0x3d6: {  	p0 =	sne.s32 s2, s0  }
.Ltmp17:
0x3d7: {  	_ = 	snop;
	(pc) =	sbr.rel @p0 .LBB2_1-.Ltmp17, $3  }
0x3d8: {  	_ =	sdelay $0x1  }
0x3d9: {  	[sflag:s1] =	ssyncset.done $0x0  }
0x3da: {  	[sflag:s1] =	ssyncadd.s32 $0xFFFFF000  }
0x3db: {  	_ =	sfence.sel $0x180000  }
0x3dc: {  	[bflag:$0x0] =	sbarrier.arrive $0xFFFF  }
0x3dd: {  	_ =	strace $0x90000047  }
0x3de: {  	s0 =	stileid.u32;
	[bflag:$0x2] =	sbarrier.arrive $0xFFFF  }
0x3df: {  	p0 =	sne.s32 s0, $0x0;
	s0 =	rddreg [dreg:$0x2]  }
0x3e0: {  	s0 =	sadd.s32 @!p0 $0x100000, s0  }
0x3e1: {  	[sflag:s0] =	ssyncadd.tile.s32 @!p0 $0x1;
	_ =	shalt  }
.Lfunc_end2:
_tile_overlayer_lowered:
.L_overlay_start_2:
0x3e2: {  	(tag) =	ssettag $0x2  }
0x3e3: {  	s0 =	rddreg [dreg:$0x0];
	s2 =	stileid.u32  }
0x3e4: {  	s1 =	rddreg [dreg:$0x1];
	p0 =	sne.s32 s2, $0x0  }
0x3e5: {  	s3 =	rddreg [dreg:$0x2];
	[bflag:$0x3] =	sbarrier.arrive $0xFFFF;
	s2 =	simm.s32 @!p0 $0x1C02  }
0x3e6: {  	[timem:s3], [sflag:s2] =	dma.local @!p0 [hbm:s0], s1  }
0x3e7: {  	s0 =	simm.s32 @!p0 $0x2  }
0x3e8: {  	_ =	swait.ge @!p0 [sflag:s0], s1  }
0x3e9: {  	s1 =	ssub.s32 @!p0 $0x0, s1;
	[sflag:s0] =	ssyncset.done @!p0 $0x0  }
0x3ea: {  	[sflag:s0] =	ssyncadd.s32 @!p0 s1  }
0x3eb: {  	[bflag:$0x3] =	sbarrier.arrive $0xFFFF  }
0x3ec: {  	_ =	shalt  }

</sc_bundles>
